<compile_context>
chip_gen: v7x
topology: tpu7x:2x2x1
jax: 0.10.2.dev20260603
libtpu: 0.0.44.dev20260713+nightly
codegen_flags: <defaults>
</compile_context>

<pallas_src>
import functools

import jax
import jax.numpy as jnp
from jax import lax
from jax.experimental import pallas as pl
from jax.experimental.pallas import tpu as pltpu
from jax.experimental.pallas import tpu_sc as plsc

D_MODEL = 32
NC, NS = 2, 16
NW = NC * NS
CHUNK = 1024
STREAM = 128


def _embed_body(idx_hbm, tab_hbm, out_hbm, idx_v, rows_v, gsem0, gsem1, osem,
                *, nchunk):
    wid = lax.axis_index("s") * NC + lax.axis_index("c")
    i0 = wid * nchunk * CHUNK
    gsems = (gsem0, gsem1)
    nstream = CHUNK // STREAM

    def load_and_fire(g, slot):
        pltpu.sync_copy(idx_hbm.at[pl.ds(i0 + g * CHUNK, CHUNK)],
                        idx_v.at[slot])
        for j in range(nstream):
            isl = idx_v.at[slot, pl.ds(j * STREAM, STREAM)]
            rsl = rows_v.at[slot, pl.ds(j * STREAM, STREAM)]
            pltpu.async_copy(tab_hbm.at[isl], rsl, gsems[slot])

    def drain_gathers(slot):
        for j in range(nstream):
            isl = idx_v.at[slot, pl.ds(j * STREAM, STREAM)]
            rsl = rows_v.at[slot, pl.ds(j * STREAM, STREAM)]
            pltpu.make_async_copy(tab_hbm.at[isl], rsl, gsems[slot]).wait()

    def write_out(g, slot):
        dst = out_hbm.at[pl.ds(i0 + g * CHUNK, CHUNK)]
        pltpu.async_copy(rows_v.at[slot], dst, osem)
        pltpu.make_async_copy(rows_v.at[slot], dst, osem).wait()

    load_and_fire(0, 0)

    npairs = (nchunk - 1) // 2

    @pl.loop(0, npairs)
    def pair_body(i):
        for sub in (0, 1):
            g = 2 * i + sub
            load_and_fire(g + 1, 1 - sub)
            drain_gathers(sub)
            write_out(g, sub)

    if (nchunk - 1) % 2 == 1:
        g = nchunk - 2
        load_and_fire(g + 1, (g + 1) % 2)
        drain_gathers(g % 2)
        write_out(g, g % 2)

    g = nchunk - 1
    drain_gathers(g % 2)
    write_out(g, g % 2)


def kernel(tokens, weights):
    nseq, seq_len = tokens.shape
    nflat = nseq * seq_len
    assert nflat % (NW * CHUNK) == 0
    nchunk = nflat // (NW * CHUNK)

    mesh = plsc.VectorSubcoreMesh(core_axis_name="c", subcore_axis_name="s")
    grid_fn = pl.kernel(
        functools.partial(_embed_body, nchunk=nchunk),
        out_type=jax.ShapeDtypeStruct((nflat, D_MODEL), jnp.float32),
        mesh=mesh,
        scratch_types=[
            pltpu.VMEM((2, CHUNK), jnp.int32),
            pltpu.VMEM((2, CHUNK, D_MODEL), jnp.float32),
            pltpu.SemaphoreType.DMA,
            pltpu.SemaphoreType.DMA,
            pltpu.SemaphoreType.DMA,
        ],
        compiler_params=pltpu.CompilerParams(use_tc_tiling_on_sc=False),
    )
    res = grid_fn(tokens.reshape(nflat).astype(jnp.int32), weights)
    return res.reshape(nseq, seq_len, D_MODEL)

# --- scband reference (transcript-rebuilt; emitter-appended) ---
"""Pipeline reference for scband-embed-21002390077998 (READ-ONLY COPY).

The authoritative reference and input builder live on the scoring server;
editing this copy changes nothing except your own understanding.
"""

import jax, jax.numpy as jnp
import numpy as np

D_VOCAB = 1000000
D_MODEL = 32

def setup_inputs(seed: int = 0) -> dict:
    key = jax.random.key(seed)
    k_tok, k_w = jax.random.split(key)
    tokens = jax.random.randint(k_tok, (4096, 200), 0, D_VOCAB, dtype=jnp.int64 if jax.config.jax_enable_x64 else jnp.int32)
    weights = jax.random.normal(k_w, (D_VOCAB, D_MODEL), dtype=jnp.float32) * (1.0 / np.sqrt(D_VOCAB))
    return {"tokens": tokens, "weights": weights}

def reference(tokens, weights):
    # Embed.forward: gather rows of the embedding table
    return jnp.take(weights, tokens, axis=0)

if __name__ == "__main__":
    import jax
    _d = setup_inputs()
    print(jax.jit(kernel)(*tuple(_d.values())))

</pallas_src>

<mosaic_0001>
#map = affine_map<(d0, d1) -> (0)>
#map1 = affine_map<(d0, d1) -> (0, 0)>
module attributes {stable_mosaic.version = 14 : i64} {
  func.func @_embed_body(%arg0: i32, %arg1: i32, %arg2: memref<819200xi32, #tpu.memory_space<hbm>>, %arg3: memref<1000000x32xf32, #tpu.memory_space<hbm>>, %arg4: memref<819200x32xf32, #tpu.memory_space<hbm>>, %arg5: memref<2x1024xi32, #tpu.memory_space<vmem>>, %arg6: memref<2x1024x32xf32, #tpu.memory_space<vmem>>, %arg7: memref<!tpu.dma_semaphore, #tpu.memory_space<semaphore_mem>>, %arg8: memref<!tpu.dma_semaphore, #tpu.memory_space<semaphore_mem>>, %arg9: memref<!tpu.dma_semaphore, #tpu.memory_space<semaphore_mem>>) attributes {dimension_semantics = [#tpu.dimension_semantics<core_parallel>, #tpu.dimension_semantics<subcore_parallel>], iteration_bounds = array<i64: 2, 16>, scalar_prefetch = 0 : i64, scratch_operands = 5 : i64, tpu.core_type = #tpu.core_type<sc_vector_subcore>, window_params = [{transform_indices = #map}, {transform_indices = #map1}, {transform_indices = #map1}]} {
    %mul3A = arith.constant 2 : i32
    %mul3A_0 = arith.muli %arg1, %mul3A : i32
    %add3A = arith.addi %mul3A_0, %arg0 : i32
    %mul3A_1 = arith.constant 25 : i32
    %mul3A_2 = arith.muli %add3A, %mul3A_1 : i32
    %mul3A_3 = arith.constant 1024 : i32
    %mul3A_4 = arith.muli %mul3A_2, %mul3A_3 : i32
    %add3A_5 = arith.constant 0 : i32
    %add3A_6 = arith.addi %mul3A_4, %add3A_5 : i32
    %run_scoped3A = arith.constant 0 : i32
    "tpu.region"() ({
      %run_scoped3A_229 = tpu.sem_alloc : memref<!tpu.dma_semaphore, #tpu.memory_space<semaphore_mem>>
      %dma_start3A_230 = arith.constant 0 : i32
      %dma_start3A_231 = tpu.memref_slice %arg5[%run_scoped3A, %dma_start3A_230] : memref<2x1024xi32, #tpu.memory_space<vmem>> -> memref<1x1024xi32, #tpu.memory_space<vmem>>
      %dma_start3A_232 = tpu.memref_squeeze %dma_start3A_231 : memref<1x1024xi32, #tpu.memory_space<vmem>> -> memref<1024xi32, #tpu.memory_space<vmem>>
      %dma_start3A_233 = tpu.memref_slice %arg2[%add3A_6] : memref<819200xi32, #tpu.memory_space<hbm>> -> memref<1024xi32, #tpu.memory_space<hbm>>
      %dma_start3A_234 = arith.constant 0 : i32
      %dma_start3A_235 = tpu.memref_slice %arg5[%run_scoped3A, %dma_start3A_234] : memref<2x1024xi32, #tpu.memory_space<vmem>> -> memref<1x1024xi32, #tpu.memory_space<vmem>>
      %dma_start3A_236 = tpu.memref_squeeze %dma_start3A_235 : memref<1x1024xi32, #tpu.memory_space<vmem>> -> memref<1024xi32, #tpu.memory_space<vmem>>
      %dma_start3A_237 = tpu.memref_slice %arg2[%add3A_6] : memref<819200xi32, #tpu.memory_space<hbm>> -> memref<1024xi32, #tpu.memory_space<hbm>>
      tpu.enqueue_dma source(%dma_start3A_237 : memref<1024xi32, #tpu.memory_space<hbm>>) target(%dma_start3A_236 : memref<1024xi32, #tpu.memory_space<vmem>>) target_semaphore(%run_scoped3A_229 : memref<!tpu.dma_semaphore, #tpu.memory_space<semaphore_mem>>)
      %dma_wait3A_238 = arith.constant 0 : i32
      %dma_wait3A_239 = tpu.memref_slice %arg5[%run_scoped3A, %dma_wait3A_238] : memref<2x1024xi32, #tpu.memory_space<vmem>> -> memref<1x1024xi32, #tpu.memory_space<vmem>>
      %dma_wait3A_240 = tpu.memref_squeeze %dma_wait3A_239 : memref<1x1024xi32, #tpu.memory_space<vmem>> -> memref<1024xi32, #tpu.memory_space<vmem>>
      %dma_wait3A_241 = tpu.memref_slice %arg2[%add3A_6] : memref<819200xi32, #tpu.memory_space<hbm>> -> memref<1024xi32, #tpu.memory_space<hbm>>
      %dma_wait3A_242 = arith.constant 0 : i32
      %dma_wait3A_243 = tpu.memref_slice %arg5[%run_scoped3A, %dma_wait3A_242] : memref<2x1024xi32, #tpu.memory_space<vmem>> -> memref<1x1024xi32, #tpu.memory_space<vmem>>
      %dma_wait3A_244 = tpu.memref_squeeze %dma_wait3A_243 : memref<1x1024xi32, #tpu.memory_space<vmem>> -> memref<1024xi32, #tpu.memory_space<vmem>>
      %dma_wait3A_245 = tpu.memref_slice %arg2[%add3A_6] : memref<819200xi32, #tpu.memory_space<hbm>> -> memref<1024xi32, #tpu.memory_space<hbm>>
      tpu.wait_dma2 semaphore(%run_scoped3A_229 : memref<!tpu.dma_semaphore, #tpu.memory_space<semaphore_mem>>) src(%dma_wait3A_245 : memref<1024xi32, #tpu.memory_space<hbm>>) dst(%dma_wait3A_244 : memref<1024xi32, #tpu.memory_space<vmem>>)
      tpu.yield
    }) : () -> ()
    %dma_start3A = arith.constant 0 : i32
    %dma_start3A_7 = arith.constant 0 : i32
    %dma_start3A_8 = arith.constant 0 : i32
    %dma_start3A_9 = arith.constant 0 : i32
    %dma_start3A_10 = tpu.memref_slice %arg6[%dma_start3A_7, %dma_start3A_8, %dma_start3A_9] : memref<2x1024x32xf32, #tpu.memory_space<vmem>> -> memref<1x128x32xf32, #tpu.memory_space<vmem>>
    %dma_start3A_11 = tpu.memref_squeeze %dma_start3A_10 : memref<1x128x32xf32, #tpu.memory_space<vmem>> -> memref<128x32xf32, #tpu.memory_space<vmem>>
    %dma_start3A_12 = arith.constant 0 : i32
    %dma_start3A_13 = tpu.memref_slice %arg5[%dma_start3A, %dma_start3A_12] : memref<2x1024xi32, #tpu.memory_space<vmem>> -> memref<1x128xi32, #tpu.memory_space<vmem>>
    %dma_start3A_14 = tpu.memref_squeeze %dma_start3A_13 : memref<1x128xi32, #tpu.memory_space<vmem>> -> memref<128xi32, #tpu.memory_space<vmem>>
    %dma_start3A_15 = arith.constant 0 : i32
    %dma_start3A_16 = arith.constant 0 : i32
    %dma_start3A_17 = tpu.memref_slice %arg3[%dma_start3A_15, %dma_start3A_16] : memref<1000000x32xf32, #tpu.memory_space<hbm>> -> memref<1000000x32xf32, #tpu.memory_space<hbm>>
    tpu.enqueue_indirect_dma source(%dma_start3A_17 : memref<1000000x32xf32, #tpu.memory_space<hbm>>) target(%dma_start3A_11 : memref<128x32xf32, #tpu.memory_space<vmem>>) offsets(%dma_start3A_14 : memref<128xi32, #tpu.memory_space<vmem>>) semaphore(%arg7 : memref<!tpu.dma_semaphore, #tpu.memory_space<semaphore_mem>>)
    %dma_start3A_18 = arith.constant 0 : i32
    %dma_start3A_19 = arith.constant 0 : i32
    %dma_start3A_20 = arith.constant 128 : i32
    %dma_start3A_21 = arith.constant 0 : i32
    %dma_start3A_22 = tpu.memref_slice %arg6[%dma_start3A_19, %dma_start3A_20, %dma_start3A_21] : memref<2x1024x32xf32, #tpu.memory_space<vmem>> -> memref<1x128x32xf32, #tpu.memory_space<vmem>>
    %dma_start3A_23 = tpu.memref_squeeze %dma_start3A_22 : memref<1x128x32xf32, #tpu.memory_space<vmem>> -> memref<128x32xf32, #tpu.memory_space<vmem>>
    %dma_start3A_24 = arith.constant 128 : i32
    %dma_start3A_25 = tpu.memref_slice %arg5[%dma_start3A_18, %dma_start3A_24] : memref<2x1024xi32, #tpu.memory_space<vmem>> -> memref<1x128xi32, #tpu.memory_space<vmem>>
    %dma_start3A_26 = tpu.memref_squeeze %dma_start3A_25 : memref<1x128xi32, #tpu.memory_space<vmem>> -> memref<128xi32, #tpu.memory_space<vmem>>
    %dma_start3A_27 = arith.constant 0 : i32
    %dma_start3A_28 = arith.constant 0 : i32
    %dma_start3A_29 = tpu.memref_slice %arg3[%dma_start3A_27, %dma_start3A_28] : memref<1000000x32xf32, #tpu.memory_space<hbm>> -> memref<1000000x32xf32, #tpu.memory_space<hbm>>
    tpu.enqueue_indirect_dma source(%dma_start3A_29 : memref<1000000x32xf32, #tpu.memory_space<hbm>>) target(%dma_start3A_23 : memref<128x32xf32, #tpu.memory_space<vmem>>) offsets(%dma_start3A_26 : memref<128xi32, #tpu.memory_space<vmem>>) semaphore(%arg7 : memref<!tpu.dma_semaphore, #tpu.memory_space<semaphore_mem>>)
    %dma_start3A_30 = arith.constant 0 : i32
    %dma_start3A_31 = arith.constant 0 : i32
    %dma_start3A_32 = arith.constant 256 : i32
    %dma_start3A_33 = arith.constant 0 : i32
    %dma_start3A_34 = tpu.memref_slice %arg6[%dma_start3A_31, %dma_start3A_32, %dma_start3A_33] : memref<2x1024x32xf32, #tpu.memory_space<vmem>> -> memref<1x128x32xf32, #tpu.memory_space<vmem>>
    %dma_start3A_35 = tpu.memref_squeeze %dma_start3A_34 : memref<1x128x32xf32, #tpu.memory_space<vmem>> -> memref<128x32xf32, #tpu.memory_space<vmem>>
    %dma_start3A_36 = arith.constant 256 : i32
    %dma_start3A_37 = tpu.memref_slice %arg5[%dma_start3A_30, %dma_start3A_36] : memref<2x1024xi32, #tpu.memory_space<vmem>> -> memref<1x128xi32, #tpu.memory_space<vmem>>
    %dma_start3A_38 = tpu.memref_squeeze %dma_start3A_37 : memref<1x128xi32, #tpu.memory_space<vmem>> -> memref<128xi32, #tpu.memory_space<vmem>>
    %dma_start3A_39 = arith.constant 0 : i32
    %dma_start3A_40 = arith.constant 0 : i32
    %dma_start3A_41 = tpu.memref_slice %arg3[%dma_start3A_39, %dma_start3A_40] : memref<1000000x32xf32, #tpu.memory_space<hbm>> -> memref<1000000x32xf32, #tpu.memory_space<hbm>>
    tpu.enqueue_indirect_dma source(%dma_start3A_41 : memref<1000000x32xf32, #tpu.memory_space<hbm>>) target(%dma_start3A_35 : memref<128x32xf32, #tpu.memory_space<vmem>>) offsets(%dma_start3A_38 : memref<128xi32, #tpu.memory_space<vmem>>) semaphore(%arg7 : memref<!tpu.dma_semaphore, #tpu.memory_space<semaphore_mem>>)
    %dma_start3A_42 = arith.constant 0 : i32
    %dma_start3A_43 = arith.constant 0 : i32
    %dma_start3A_44 = arith.constant 384 : i32
    %dma_start3A_45 = arith.constant 0 : i32
    %dma_start3A_46 = tpu.memref_slice %arg6[%dma_start3A_43, %dma_start3A_44, %dma_start3A_45] : memref<2x1024x32xf32, #tpu.memory_space<vmem>> -> memref<1x128x32xf32, #tpu.memory_space<vmem>>
    %dma_start3A_47 = tpu.memref_squeeze %dma_start3A_46 : memref<1x128x32xf32, #tpu.memory_space<vmem>> -> memref<128x32xf32, #tpu.memory_space<vmem>>
    %dma_start3A_48 = arith.constant 384 : i32
    %dma_start3A_49 = tpu.memref_slice %arg5[%dma_start3A_42, %dma_start3A_48] : memref<2x1024xi32, #tpu.memory_space<vmem>> -> memref<1x128xi32, #tpu.memory_space<vmem>>
    %dma_start3A_50 = tpu.memref_squeeze %dma_start3A_49 : memref<1x128xi32, #tpu.memory_space<vmem>> -> memref<128xi32, #tpu.memory_space<vmem>>
    %dma_start3A_51 = arith.constant 0 : i32
    %dma_start3A_52 = arith.constant 0 : i32
    %dma_start3A_53 = tpu.memref_slice %arg3[%dma_start3A_51, %dma_start3A_52] : memref<1000000x32xf32, #tpu.memory_space<hbm>> -> memref<1000000x32xf32, #tpu.memory_space<hbm>>
    tpu.enqueue_indirect_dma source(%dma_start3A_53 : memref<1000000x32xf32, #tpu.memory_space<hbm>>) target(%dma_start3A_47 : memref<128x32xf32, #tpu.memory_space<vmem>>) offsets(%dma_start3A_50 : memref<128xi32, #tpu.memory_space<vmem>>) semaphore(%arg7 : memref<!tpu.dma_semaphore, #tpu.memory_space<semaphore_mem>>)
    %dma_start3A_54 = arith.constant 0 : i32
    %dma_start3A_55 = arith.constant 0 : i32
    %dma_start3A_56 = arith.constant 512 : i32
    %dma_start3A_57 = arith.constant 0 : i32
    %dma_start3A_58 = tpu.memref_slice %arg6[%dma_start3A_55, %dma_start3A_56, %dma_start3A_57] : memref<2x1024x32xf32, #tpu.memory_space<vmem>> -> memref<1x128x32xf32, #tpu.memory_space<vmem>>
    %dma_start3A_59 = tpu.memref_squeeze %dma_start3A_58 : memref<1x128x32xf32, #tpu.memory_space<vmem>> -> memref<128x32xf32, #tpu.memory_space<vmem>>
    %dma_start3A_60 = arith.constant 512 : i32
    %dma_start3A_61 = tpu.memref_slice %arg5[%dma_start3A_54, %dma_start3A_60] : memref<2x1024xi32, #tpu.memory_space<vmem>> -> memref<1x128xi32, #tpu.memory_space<vmem>>
    %dma_start3A_62 = tpu.memref_squeeze %dma_start3A_61 : memref<1x128xi32, #tpu.memory_space<vmem>> -> memref<128xi32, #tpu.memory_space<vmem>>
    %dma_start3A_63 = arith.constant 0 : i32
    %dma_start3A_64 = arith.constant 0 : i32
    %dma_start3A_65 = tpu.memref_slice %arg3[%dma_start3A_63, %dma_start3A_64] : memref<1000000x32xf32, #tpu.memory_space<hbm>> -> memref<1000000x32xf32, #tpu.memory_space<hbm>>
    tpu.enqueue_indirect_dma source(%dma_start3A_65 : memref<1000000x32xf32, #tpu.memory_space<hbm>>) target(%dma_start3A_59 : memref<128x32xf32, #tpu.memory_space<vmem>>) offsets(%dma_start3A_62 : memref<128xi32, #tpu.memory_space<vmem>>) semaphore(%arg7 : memref<!tpu.dma_semaphore, #tpu.memory_space<semaphore_mem>>)
    %dma_start3A_66 = arith.constant 0 : i32
    %dma_start3A_67 = arith.constant 0 : i32
    %dma_start3A_68 = arith.constant 640 : i32
    %dma_start3A_69 = arith.constant 0 : i32
    %dma_start3A_70 = tpu.memref_slice %arg6[%dma_start3A_67, %dma_start3A_68, %dma_start3A_69] : memref<2x1024x32xf32, #tpu.memory_space<vmem>> -> memref<1x128x32xf32, #tpu.memory_space<vmem>>
    %dma_start3A_71 = tpu.memref_squeeze %dma_start3A_70 : memref<1x128x32xf32, #tpu.memory_space<vmem>> -> memref<128x32xf32, #tpu.memory_space<vmem>>
    %dma_start3A_72 = arith.constant 640 : i32
    %dma_start3A_73 = tpu.memref_slice %arg5[%dma_start3A_66, %dma_start3A_72] : memref<2x1024xi32, #tpu.memory_space<vmem>> -> memref<1x128xi32, #tpu.memory_space<vmem>>
    %dma_start3A_74 = tpu.memref_squeeze %dma_start3A_73 : memref<1x128xi32, #tpu.memory_space<vmem>> -> memref<128xi32, #tpu.memory_space<vmem>>
    %dma_start3A_75 = arith.constant 0 : i32
    %dma_start3A_76 = arith.constant 0 : i32
    %dma_start3A_77 = tpu.memref_slice %arg3[%dma_start3A_75, %dma_start3A_76] : memref<1000000x32xf32, #tpu.memory_space<hbm>> -> memref<1000000x32xf32, #tpu.memory_space<hbm>>
    tpu.enqueue_indirect_dma source(%dma_start3A_77 : memref<1000000x32xf32, #tpu.memory_space<hbm>>) target(%dma_start3A_71 : memref<128x32xf32, #tpu.memory_space<vmem>>) offsets(%dma_start3A_74 : memref<128xi32, #tpu.memory_space<vmem>>) semaphore(%arg7 : memref<!tpu.dma_semaphore, #tpu.memory_space<semaphore_mem>>)
    %dma_start3A_78 = arith.constant 0 : i32
    %dma_start3A_79 = arith.constant 0 : i32
    %dma_start3A_80 = arith.constant 768 : i32
    %dma_start3A_81 = arith.constant 0 : i32
    %dma_start3A_82 = tpu.memref_slice %arg6[%dma_start3A_79, %dma_start3A_80, %dma_start3A_81] : memref<2x1024x32xf32, #tpu.memory_space<vmem>> -> memref<1x128x32xf32, #tpu.memory_space<vmem>>
    %dma_start3A_83 = tpu.memref_squeeze %dma_start3A_82 : memref<1x128x32xf32, #tpu.memory_space<vmem>> -> memref<128x32xf32, #tpu.memory_space<vmem>>
    %dma_start3A_84 = arith.constant 768 : i32
    %dma_start3A_85 = tpu.memref_slice %arg5[%dma_start3A_78, %dma_start3A_84] : memref<2x1024xi32, #tpu.memory_space<vmem>> -> memref<1x128xi32, #tpu.memory_space<vmem>>
    %dma_start3A_86 = tpu.memref_squeeze %dma_start3A_85 : memref<1x128xi32, #tpu.memory_space<vmem>> -> memref<128xi32, #tpu.memory_space<vmem>>
    %dma_start3A_87 = arith.constant 0 : i32
    %dma_start3A_88 = arith.constant 0 : i32
    %dma_start3A_89 = tpu.memref_slice %arg3[%dma_start3A_87, %dma_start3A_88] : memref<1000000x32xf32, #tpu.memory_space<hbm>> -> memref<1000000x32xf32, #tpu.memory_space<hbm>>
    tpu.enqueue_indirect_dma source(%dma_start3A_89 : memref<1000000x32xf32, #tpu.memory_space<hbm>>) target(%dma_start3A_83 : memref<128x32xf32, #tpu.memory_space<vmem>>) offsets(%dma_start3A_86 : memref<128xi32, #tpu.memory_space<vmem>>) semaphore(%arg7 : memref<!tpu.dma_semaphore, #tpu.memory_space<semaphore_mem>>)
    %dma_start3A_90 = arith.constant 0 : i32
    %dma_start3A_91 = arith.constant 0 : i32
    %dma_start3A_92 = arith.constant 896 : i32
    %dma_start3A_93 = arith.constant 0 : i32
    %dma_start3A_94 = tpu.memref_slice %arg6[%dma_start3A_91, %dma_start3A_92, %dma_start3A_93] : memref<2x1024x32xf32, #tpu.memory_space<vmem>> -> memref<1x128x32xf32, #tpu.memory_space<vmem>>
    %dma_start3A_95 = tpu.memref_squeeze %dma_start3A_94 : memref<1x128x32xf32, #tpu.memory_space<vmem>> -> memref<128x32xf32, #tpu.memory_space<vmem>>
    %dma_start3A_96 = arith.constant 896 : i32
    %dma_start3A_97 = tpu.memref_slice %arg5[%dma_start3A_90, %dma_start3A_96] : memref<2x1024xi32, #tpu.memory_space<vmem>> -> memref<1x128xi32, #tpu.memory_space<vmem>>
    %dma_start3A_98 = tpu.memref_squeeze %dma_start3A_97 : memref<1x128xi32, #tpu.memory_space<vmem>> -> memref<128xi32, #tpu.memory_space<vmem>>
    %dma_start3A_99 = arith.constant 0 : i32
    %dma_start3A_100 = arith.constant 0 : i32
    %dma_start3A_101 = tpu.memref_slice %arg3[%dma_start3A_99, %dma_start3A_100] : memref<1000000x32xf32, #tpu.memory_space<hbm>> -> memref<1000000x32xf32, #tpu.memory_space<hbm>>
    tpu.enqueue_indirect_dma source(%dma_start3A_101 : memref<1000000x32xf32, #tpu.memory_space<hbm>>) target(%dma_start3A_95 : memref<128x32xf32, #tpu.memory_space<vmem>>) offsets(%dma_start3A_98 : memref<128xi32, #tpu.memory_space<vmem>>) semaphore(%arg7 : memref<!tpu.dma_semaphore, #tpu.memory_space<semaphore_mem>>)
    %scan3A = arith.constant 0 : i32
    %scan3A_102 = arith.constant 12 : i32
    %scan3A_103 = arith.addi %scan3A, %scan3A_102 : i32
    %scan3A_104 = arith.constant 1 : i32
    scf.for %scan3A_229 = %scan3A to %scan3A_103 step %scan3A_104  : i32 {
      %mul3A_230 = arith.constant 1 : i32
      %mul3A_231 = arith.muli %scan3A_229, %mul3A_230 : i32
      %add3A_232 = arith.constant 0 : i32
      %add3A_233 = arith.addi %add3A_232, %mul3A_231 : i32
      %mul3A_234 = arith.constant 2 : i32
      %mul3A_235 = arith.muli %mul3A_234, %add3A_233 : i32
      %add3A_236 = arith.constant 0 : i32
      %add3A_237 = arith.addi %mul3A_235, %add3A_236 : i32
      %add3A_238 = arith.constant 1 : i32
      %add3A_239 = arith.addi %add3A_237, %add3A_238 : i32
      %mul3A_240 = arith.constant 1024 : i32
      %mul3A_241 = arith.muli %add3A_239, %mul3A_240 : i32
      %add3A_242 = arith.addi %mul3A_4, %mul3A_241 : i32
      %run_scoped3A_243 = arith.constant 1 : i32
      "tpu.region"() ({
        %run_scoped3A_696 = tpu.sem_alloc : memref<!tpu.dma_semaphore, #tpu.memory_space<semaphore_mem>>
        %dma_start3A_697 = arith.constant 0 : i32
        %dma_start3A_698 = tpu.memref_slice %arg5[%run_scoped3A_243, %dma_start3A_697] : memref<2x1024xi32, #tpu.memory_space<vmem>> -> memref<1x1024xi32, #tpu.memory_space<vmem>>
        %dma_start3A_699 = tpu.memref_squeeze %dma_start3A_698 : memref<1x1024xi32, #tpu.memory_space<vmem>> -> memref<1024xi32, #tpu.memory_space<vmem>>
        %dma_start3A_700 = tpu.memref_slice %arg2[%add3A_242] : memref<819200xi32, #tpu.memory_space<hbm>> -> memref<1024xi32, #tpu.memory_space<hbm>>
        %dma_start3A_701 = arith.constant 0 : i32
        %dma_start3A_702 = tpu.memref_slice %arg5[%run_scoped3A_243, %dma_start3A_701] : memref<2x1024xi32, #tpu.memory_space<vmem>> -> memref<1x1024xi32, #tpu.memory_space<vmem>>
        %dma_start3A_703 = tpu.memref_squeeze %dma_start3A_702 : memref<1x1024xi32, #tpu.memory_space<vmem>> -> memref<1024xi32, #tpu.memory_space<vmem>>
        %dma_start3A_704 = tpu.memref_slice %arg2[%add3A_242] : memref<819200xi32, #tpu.memory_space<hbm>> -> memref<1024xi32, #tpu.memory_space<hbm>>
        tpu.enqueue_dma source(%dma_start3A_704 : memref<1024xi32, #tpu.memory_space<hbm>>) target(%dma_start3A_703 : memref<1024xi32, #tpu.memory_space<vmem>>) target_semaphore(%run_scoped3A_696 : memref<!tpu.dma_semaphore, #tpu.memory_space<semaphore_mem>>)
        %dma_wait3A_705 = arith.constant 0 : i32
        %dma_wait3A_706 = tpu.memref_slice %arg5[%run_scoped3A_243, %dma_wait3A_705] : memref<2x1024xi32, #tpu.memory_space<vmem>> -> memref<1x1024xi32, #tpu.memory_space<vmem>>
        %dma_wait3A_707 = tpu.memref_squeeze %dma_wait3A_706 : memref<1x1024xi32, #tpu.memory_space<vmem>> -> memref<1024xi32, #tpu.memory_space<vmem>>
        %dma_wait3A_708 = tpu.memref_slice %arg2[%add3A_242] : memref<819200xi32, #tpu.memory_space<hbm>> -> memref<1024xi32, #tpu.memory_space<hbm>>
        %dma_wait3A_709 = arith.constant 0 : i32
        %dma_wait3A_710 = tpu.memref_slice %arg5[%run_scoped3A_243, %dma_wait3A_709] : memref<2x1024xi32, #tpu.memory_space<vmem>> -> memref<1x1024xi32, #tpu.memory_space<vmem>>
        %dma_wait3A_711 = tpu.memref_squeeze %dma_wait3A_710 : memref<1x1024xi32, #tpu.memory_space<vmem>> -> memref<1024xi32, #tpu.memory_space<vmem>>
        %dma_wait3A_712 = tpu.memref_slice %arg2[%add3A_242] : memref<819200xi32, #tpu.memory_space<hbm>> -> memref<1024xi32, #tpu.memory_space<hbm>>
        tpu.wait_dma2 semaphore(%run_scoped3A_696 : memref<!tpu.dma_semaphore, #tpu.memory_space<semaphore_mem>>) src(%dma_wait3A_712 : memref<1024xi32, #tpu.memory_space<hbm>>) dst(%dma_wait3A_711 : memref<1024xi32, #tpu.memory_space<vmem>>)
        tpu.yield
      }) : () -> ()
      %dma_start3A_244 = arith.constant 1 : i32
      %dma_start3A_245 = arith.constant 1 : i32
      %dma_start3A_246 = arith.constant 0 : i32
      %dma_start3A_247 = arith.constant 0 : i32
      %dma_start3A_248 = tpu.memref_slice %arg6[%dma_start3A_245, %dma_start3A_246, %dma_start3A_247] : memref<2x1024x32xf32, #tpu.memory_space<vmem>> -> memref<1x128x32xf32, #tpu.memory_space<vmem>>
      %dma_start3A_249 = tpu.memref_squeeze %dma_start3A_248 : memref<1x128x32xf32, #tpu.memory_space<vmem>> -> memref<128x32xf32, #tpu.memory_space<vmem>>
      %dma_start3A_250 = arith.constant 0 : i32
      %dma_start3A_251 = tpu.memref_slice %arg5[%dma_start3A_244, %dma_start3A_250] : memref<2x1024xi32, #tpu.memory_space<vmem>> -> memref<1x128xi32, #tpu.memory_space<vmem>>
      %dma_start3A_252 = tpu.memref_squeeze %dma_start3A_251 : memref<1x128xi32, #tpu.memory_space<vmem>> -> memref<128xi32, #tpu.memory_space<vmem>>
      %dma_start3A_253 = arith.constant 0 : i32
      %dma_start3A_254 = arith.constant 0 : i32
      %dma_start3A_255 = tpu.memref_slice %arg3[%dma_start3A_253, %dma_start3A_254] : memref<1000000x32xf32, #tpu.memory_space<hbm>> -> memref<1000000x32xf32, #tpu.memory_space<hbm>>
      tpu.enqueue_indirect_dma source(%dma_start3A_255 : memref<1000000x32xf32, #tpu.memory_space<hbm>>) target(%dma_start3A_249 : memref<128x32xf32, #tpu.memory_space<vmem>>) offsets(%dma_start3A_252 : memref<128xi32, #tpu.memory_space<vmem>>) semaphore(%arg8 : memref<!tpu.dma_semaphore, #tpu.memory_space<semaphore_mem>>)
      %dma_start3A_256 = arith.constant 1 : i32
      %dma_start3A_257 = arith.constant 1 : i32
      %dma_start3A_258 = arith.constant 128 : i32
      %dma_start3A_259 = arith.constant 0 : i32
      %dma_start3A_260 = tpu.memref_slice %arg6[%dma_start3A_257, %dma_start3A_258, %dma_start3A_259] : memref<2x1024x32xf32, #tpu.memory_space<vmem>> -> memref<1x128x32xf32, #tpu.memory_space<vmem>>
      %dma_start3A_261 = tpu.memref_squeeze %dma_start3A_260 : memref<1x128x32xf32, #tpu.memory_space<vmem>> -> memref<128x32xf32, #tpu.memory_space<vmem>>
      %dma_start3A_262 = arith.constant 128 : i32
      %dma_start3A_263 = tpu.memref_slice %arg5[%dma_start3A_256, %dma_start3A_262] : memref<2x1024xi32, #tpu.memory_space<vmem>> -> memref<1x128xi32, #tpu.memory_space<vmem>>
      %dma_start3A_264 = tpu.memref_squeeze %dma_start3A_263 : memref<1x128xi32, #tpu.memory_space<vmem>> -> memref<128xi32, #tpu.memory_space<vmem>>
      %dma_start3A_265 = arith.constant 0 : i32
      %dma_start3A_266 = arith.constant 0 : i32
      %dma_start3A_267 = tpu.memref_slice %arg3[%dma_start3A_265, %dma_start3A_266] : memref<1000000x32xf32, #tpu.memory_space<hbm>> -> memref<1000000x32xf32, #tpu.memory_space<hbm>>
      tpu.enqueue_indirect_dma source(%dma_start3A_267 : memref<1000000x32xf32, #tpu.memory_space<hbm>>) target(%dma_start3A_261 : memref<128x32xf32, #tpu.memory_space<vmem>>) offsets(%dma_start3A_264 : memref<128xi32, #tpu.memory_space<vmem>>) semaphore(%arg8 : memref<!tpu.dma_semaphore, #tpu.memory_space<semaphore_mem>>)
      %dma_start3A_268 = arith.constant 1 : i32
      %dma_start3A_269 = arith.constant 1 : i32
      %dma_start3A_270 = arith.constant 256 : i32
      %dma_start3A_271 = arith.constant 0 : i32
      %dma_start3A_272 = tpu.memref_slice %arg6[%dma_start3A_269, %dma_start3A_270, %dma_start3A_271] : memref<2x1024x32xf32, #tpu.memory_space<vmem>> -> memref<1x128x32xf32, #tpu.memory_space<vmem>>
      %dma_start3A_273 = tpu.memref_squeeze %dma_start3A_272 : memref<1x128x32xf32, #tpu.memory_space<vmem>> -> memref<128x32xf32, #tpu.memory_space<vmem>>
      %dma_start3A_274 = arith.constant 256 : i32
      %dma_start3A_275 = tpu.memref_slice %arg5[%dma_start3A_268, %dma_start3A_274] : memref<2x1024xi32, #tpu.memory_space<vmem>> -> memref<1x128xi32, #tpu.memory_space<vmem>>
      %dma_start3A_276 = tpu.memref_squeeze %dma_start3A_275 : memref<1x128xi32, #tpu.memory_space<vmem>> -> memref<128xi32, #tpu.memory_space<vmem>>
      %dma_start3A_277 = arith.constant 0 : i32
      %dma_start3A_278 = arith.constant 0 : i32
      %dma_start3A_279 = tpu.memref_slice %arg3[%dma_start3A_277, %dma_start3A_278] : memref<1000000x32xf32, #tpu.memory_space<hbm>> -> memref<1000000x32xf32, #tpu.memory_space<hbm>>
      tpu.enqueue_indirect_dma source(%dma_start3A_279 : memref<1000000x32xf32, #tpu.memory_space<hbm>>) target(%dma_start3A_273 : memref<128x32xf32, #tpu.memory_space<vmem>>) offsets(%dma_start3A_276 : memref<128xi32, #tpu.memory_space<vmem>>) semaphore(%arg8 : memref<!tpu.dma_semaphore, #tpu.memory_space<semaphore_mem>>)
      %dma_start3A_280 = arith.constant 1 : i32
      %dma_start3A_281 = arith.constant 1 : i32
      %dma_start3A_282 = arith.constant 384 : i32
      %dma_start3A_283 = arith.constant 0 : i32
      %dma_start3A_284 = tpu.memref_slice %arg6[%dma_start3A_281, %dma_start3A_282, %dma_start3A_283] : memref<2x1024x32xf32, #tpu.memory_space<vmem>> -> memref<1x128x32xf32, #tpu.memory_space<vmem>>
      %dma_start3A_285 = tpu.memref_squeeze %dma_start3A_284 : memref<1x128x32xf32, #tpu.memory_space<vmem>> -> memref<128x32xf32, #tpu.memory_space<vmem>>
      %dma_start3A_286 = arith.constant 384 : i32
      %dma_start3A_287 = tpu.memref_slice %arg5[%dma_start3A_280, %dma_start3A_286] : memref<2x1024xi32, #tpu.memory_space<vmem>> -> memref<1x128xi32, #tpu.memory_space<vmem>>
      %dma_start3A_288 = tpu.memref_squeeze %dma_start3A_287 : memref<1x128xi32, #tpu.memory_space<vmem>> -> memref<128xi32, #tpu.memory_space<vmem>>
      %dma_start3A_289 = arith.constant 0 : i32
      %dma_start3A_290 = arith.constant 0 : i32
      %dma_start3A_291 = tpu.memref_slice %arg3[%dma_start3A_289, %dma_start3A_290] : memref<1000000x32xf32, #tpu.memory_space<hbm>> -> memref<1000000x32xf32, #tpu.memory_space<hbm>>
      tpu.enqueue_indirect_dma source(%dma_start3A_291 : memref<1000000x32xf32, #tpu.memory_space<hbm>>) target(%dma_start3A_285 : memref<128x32xf32, #tpu.memory_space<vmem>>) offsets(%dma_start3A_288 : memref<128xi32, #tpu.memory_space<vmem>>) semaphore(%arg8 : memref<!tpu.dma_semaphore, #tpu.memory_space<semaphore_mem>>)
      %dma_start3A_292 = arith.constant 1 : i32
      %dma_start3A_293 = arith.constant 1 : i32
      %dma_start3A_294 = arith.constant 512 : i32
      %dma_start3A_295 = arith.constant 0 : i32
      %dma_start3A_296 = tpu.memref_slice %arg6[%dma_start3A_293, %dma_start3A_294, %dma_start3A_295] : memref<2x1024x32xf32, #tpu.memory_space<vmem>> -> memref<1x128x32xf32, #tpu.memory_space<vmem>>
      %dma_start3A_297 = tpu.memref_squeeze %dma_start3A_296 : memref<1x128x32xf32, #tpu.memory_space<vmem>> -> memref<128x32xf32, #tpu.memory_space<vmem>>
      %dma_start3A_298 = arith.constant 512 : i32
      %dma_start3A_299 = tpu.memref_slice %arg5[%dma_start3A_292, %dma_start3A_298] : memref<2x1024xi32, #tpu.memory_space<vmem>> -> memref<1x128xi32, #tpu.memory_space<vmem>>
      %dma_start3A_300 = tpu.memref_squeeze %dma_start3A_299 : memref<1x128xi32, #tpu.memory_space<vmem>> -> memref<128xi32, #tpu.memory_space<vmem>>
      %dma_start3A_301 = arith.constant 0 : i32
      %dma_start3A_302 = arith.constant 0 : i32
      %dma_start3A_303 = tpu.memref_slice %arg3[%dma_start3A_301, %dma_start3A_302] : memref<1000000x32xf32, #tpu.memory_space<hbm>> -> memref<1000000x32xf32, #tpu.memory_space<hbm>>
      tpu.enqueue_indirect_dma source(%dma_start3A_303 : memref<1000000x32xf32, #tpu.memory_space<hbm>>) target(%dma_start3A_297 : memref<128x32xf32, #tpu.memory_space<vmem>>) offsets(%dma_start3A_300 : memref<128xi32, #tpu.memory_space<vmem>>) semaphore(%arg8 : memref<!tpu.dma_semaphore, #tpu.memory_space<semaphore_mem>>)
      %dma_start3A_304 = arith.constant 1 : i32
      %dma_start3A_305 = arith.constant 1 : i32
      %dma_start3A_306 = arith.constant 640 : i32
      %dma_start3A_307 = arith.constant 0 : i32
      %dma_start3A_308 = tpu.memref_slice %arg6[%dma_start3A_305, %dma_start3A_306, %dma_start3A_307] : memref<2x1024x32xf32, #tpu.memory_space<vmem>> -> memref<1x128x32xf32, #tpu.memory_space<vmem>>
      %dma_start3A_309 = tpu.memref_squeeze %dma_start3A_308 : memref<1x128x32xf32, #tpu.memory_space<vmem>> -> memref<128x32xf32, #tpu.memory_space<vmem>>
      %dma_start3A_310 = arith.constant 640 : i32
      %dma_start3A_311 = tpu.memref_slice %arg5[%dma_start3A_304, %dma_start3A_310] : memref<2x1024xi32, #tpu.memory_space<vmem>> -> memref<1x128xi32, #tpu.memory_space<vmem>>
      %dma_start3A_312 = tpu.memref_squeeze %dma_start3A_311 : memref<1x128xi32, #tpu.memory_space<vmem>> -> memref<128xi32, #tpu.memory_space<vmem>>
      %dma_start3A_313 = arith.constant 0 : i32
      %dma_start3A_314 = arith.constant 0 : i32
      %dma_start3A_315 = tpu.memref_slice %arg3[%dma_start3A_313, %dma_start3A_314] : memref<1000000x32xf32, #tpu.memory_space<hbm>> -> memref<1000000x32xf32, #tpu.memory_space<hbm>>
      tpu.enqueue_indirect_dma source(%dma_start3A_315 : memref<1000000x32xf32, #tpu.memory_space<hbm>>) target(%dma_start3A_309 : memref<128x32xf32, #tpu.memory_space<vmem>>) offsets(%dma_start3A_312 : memref<128xi32, #tpu.memory_space<vmem>>) semaphore(%arg8 : memref<!tpu.dma_semaphore, #tpu.memory_space<semaphore_mem>>)
      %dma_start3A_316 = arith.constant 1 : i32
      %dma_start3A_317 = arith.constant 1 : i32
      %dma_start3A_318 = arith.constant 768 : i32
      %dma_start3A_319 = arith.constant 0 : i32
      %dma_start3A_320 = tpu.memref_slice %arg6[%dma_start3A_317, %dma_start3A_318, %dma_start3A_319] : memref<2x1024x32xf32, #tpu.memory_space<vmem>> -> memref<1x128x32xf32, #tpu.memory_space<vmem>>
      %dma_start3A_321 = tpu.memref_squeeze %dma_start3A_320 : memref<1x128x32xf32, #tpu.memory_space<vmem>> -> memref<128x32xf32, #tpu.memory_space<vmem>>
      %dma_start3A_322 = arith.constant 768 : i32
      %dma_start3A_323 = tpu.memref_slice %arg5[%dma_start3A_316, %dma_start3A_322] : memref<2x1024xi32, #tpu.memory_space<vmem>> -> memref<1x128xi32, #tpu.memory_space<vmem>>
      %dma_start3A_324 = tpu.memref_squeeze %dma_start3A_323 : memref<1x128xi32, #tpu.memory_space<vmem>> -> memref<128xi32, #tpu.memory_space<vmem>>
      %dma_start3A_325 = arith.constant 0 : i32
      %dma_start3A_326 = arith.constant 0 : i32
      %dma_start3A_327 = tpu.memref_slice %arg3[%dma_start3A_325, %dma_start3A_326] : memref<1000000x32xf32, #tpu.memory_space<hbm>> -> memref<1000000x32xf32, #tpu.memory_space<hbm>>
      tpu.enqueue_indirect_dma source(%dma_start3A_327 : memref<1000000x32xf32, #tpu.memory_space<hbm>>) target(%dma_start3A_321 : memref<128x32xf32, #tpu.memory_space<vmem>>) offsets(%dma_start3A_324 : memref<128xi32, #tpu.memory_space<vmem>>) semaphore(%arg8 : memref<!tpu.dma_semaphore, #tpu.memory_space<semaphore_mem>>)
      %dma_start3A_328 = arith.constant 1 : i32
      %dma_start3A_329 = arith.constant 1 : i32
      %dma_start3A_330 = arith.constant 896 : i32
      %dma_start3A_331 = arith.constant 0 : i32
      %dma_start3A_332 = tpu.memref_slice %arg6[%dma_start3A_329, %dma_start3A_330, %dma_start3A_331] : memref<2x1024x32xf32, #tpu.memory_space<vmem>> -> memref<1x128x32xf32, #tpu.memory_space<vmem>>
      %dma_start3A_333 = tpu.memref_squeeze %dma_start3A_332 : memref<1x128x32xf32, #tpu.memory_space<vmem>> -> memref<128x32xf32, #tpu.memory_space<vmem>>
      %dma_start3A_334 = arith.constant 896 : i32
      %dma_start3A_335 = tpu.memref_slice %arg5[%dma_start3A_328, %dma_start3A_334] : memref<2x1024xi32, #tpu.memory_space<vmem>> -> memref<1x128xi32, #tpu.memory_space<vmem>>
      %dma_start3A_336 = tpu.memref_squeeze %dma_start3A_335 : memref<1x128xi32, #tpu.memory_space<vmem>> -> memref<128xi32, #tpu.memory_space<vmem>>
      %dma_start3A_337 = arith.constant 0 : i32
      %dma_start3A_338 = arith.constant 0 : i32
      %dma_start3A_339 = tpu.memref_slice %arg3[%dma_start3A_337, %dma_start3A_338] : memref<1000000x32xf32, #tpu.memory_space<hbm>> -> memref<1000000x32xf32, #tpu.memory_space<hbm>>
      tpu.enqueue_indirect_dma source(%dma_start3A_339 : memref<1000000x32xf32, #tpu.memory_space<hbm>>) target(%dma_start3A_333 : memref<128x32xf32, #tpu.memory_space<vmem>>) offsets(%dma_start3A_336 : memref<128xi32, #tpu.memory_space<vmem>>) semaphore(%arg8 : memref<!tpu.dma_semaphore, #tpu.memory_space<semaphore_mem>>)
      %dma_wait3A_340 = arith.constant 0 : i32
      %dma_wait3A_341 = arith.constant 0 : i32
      %dma_wait3A_342 = arith.constant 0 : i32
      %dma_wait3A_343 = arith.constant 0 : i32
      %dma_wait3A_344 = tpu.memref_slice %arg6[%dma_wait3A_341, %dma_wait3A_342, %dma_wait3A_343] : memref<2x1024x32xf32, #tpu.memory_space<vmem>> -> memref<1x128x32xf32, #tpu.memory_space<vmem>>
      %dma_wait3A_345 = tpu.memref_squeeze %dma_wait3A_344 : memref<1x128x32xf32, #tpu.memory_space<vmem>> -> memref<128x32xf32, #tpu.memory_space<vmem>>
      %dma_wait3A_346 = arith.constant 0 : i32
      %dma_wait3A_347 = tpu.memref_slice %arg5[%dma_wait3A_340, %dma_wait3A_346] : memref<2x1024xi32, #tpu.memory_space<vmem>> -> memref<1x128xi32, #tpu.memory_space<vmem>>
      %dma_wait3A_348 = tpu.memref_squeeze %dma_wait3A_347 : memref<1x128xi32, #tpu.memory_space<vmem>> -> memref<128xi32, #tpu.memory_space<vmem>>
      %dma_wait3A_349 = arith.constant 0 : i32
      %dma_wait3A_350 = arith.constant 0 : i32
      %dma_wait3A_351 = tpu.memref_slice %arg3[%dma_wait3A_349, %dma_wait3A_350] : memref<1000000x32xf32, #tpu.memory_space<hbm>> -> memref<1000000x32xf32, #tpu.memory_space<hbm>>
      tpu.wait_indirect_dma semaphore(%arg7 : memref<!tpu.dma_semaphore, #tpu.memory_space<semaphore_mem>>) src(%dma_wait3A_351 : memref<1000000x32xf32, #tpu.memory_space<hbm>>) dst(%dma_wait3A_345 : memref<128x32xf32, #tpu.memory_space<vmem>>)
      %dma_wait3A_352 = arith.constant 0 : i32
      %dma_wait3A_353 = arith.constant 0 : i32
      %dma_wait3A_354 = arith.constant 128 : i32
      %dma_wait3A_355 = arith.constant 0 : i32
      %dma_wait3A_356 = tpu.memref_slice %arg6[%dma_wait3A_353, %dma_wait3A_354, %dma_wait3A_355] : memref<2x1024x32xf32, #tpu.memory_space<vmem>> -> memref<1x128x32xf32, #tpu.memory_space<vmem>>
      %dma_wait3A_357 = tpu.memref_squeeze %dma_wait3A_356 : memref<1x128x32xf32, #tpu.memory_space<vmem>> -> memref<128x32xf32, #tpu.memory_space<vmem>>
      %dma_wait3A_358 = arith.constant 128 : i32
      %dma_wait3A_359 = tpu.memref_slice %arg5[%dma_wait3A_352, %dma_wait3A_358] : memref<2x1024xi32, #tpu.memory_space<vmem>> -> memref<1x128xi32, #tpu.memory_space<vmem>>
      %dma_wait3A_360 = tpu.memref_squeeze %dma_wait3A_359 : memref<1x128xi32, #tpu.memory_space<vmem>> -> memref<128xi32, #tpu.memory_space<vmem>>
      %dma_wait3A_361 = arith.constant 0 : i32
      %dma_wait3A_362 = arith.constant 0 : i32
      %dma_wait3A_363 = tpu.memref_slice %arg3[%dma_wait3A_361, %dma_wait3A_362] : memref<1000000x32xf32, #tpu.memory_space<hbm>> -> memref<1000000x32xf32, #tpu.memory_space<hbm>>
      tpu.wait_indirect_dma semaphore(%arg7 : memref<!tpu.dma_semaphore, #tpu.memory_space<semaphore_mem>>) src(%dma_wait3A_363 : memref<1000000x32xf32, #tpu.memory_space<hbm>>) dst(%dma_wait3A_357 : memref<128x32xf32, #tpu.memory_space<vmem>>)
      %dma_wait3A_364 = arith.constant 0 : i32
      %dma_wait3A_365 = arith.constant 0 : i32
      %dma_wait3A_366 = arith.constant 256 : i32
      %dma_wait3A_367 = arith.constant 0 : i32
      %dma_wait3A_368 = tpu.memref_slice %arg6[%dma_wait3A_365, %dma_wait3A_366, %dma_wait3A_367] : memref<2x1024x32xf32, #tpu.memory_space<vmem>> -> memref<1x128x32xf32, #tpu.memory_space<vmem>>
      %dma_wait3A_369 = tpu.memref_squeeze %dma_wait3A_368 : memref<1x128x32xf32, #tpu.memory_space<vmem>> -> memref<128x32xf32, #tpu.memory_space<vmem>>
      %dma_wait3A_370 = arith.constant 256 : i32
      %dma_wait3A_371 = tpu.memref_slice %arg5[%dma_wait3A_364, %dma_wait3A_370] : memref<2x1024xi32, #tpu.memory_space<vmem>> -> memref<1x128xi32, #tpu.memory_space<vmem>>
      %dma_wait3A_372 = tpu.memref_squeeze %dma_wait3A_371 : memref<1x128xi32, #tpu.memory_space<vmem>> -> memref<128xi32, #tpu.memory_space<vmem>>
      %dma_wait3A_373 = arith.constant 0 : i32
      %dma_wait3A_374 = arith.constant 0 : i32
      %dma_wait3A_375 = tpu.memref_slice %arg3[%dma_wait3A_373, %dma_wait3A_374] : memref<1000000x32xf32, #tpu.memory_space<hbm>> -> memref<1000000x32xf32, #tpu.memory_space<hbm>>
      tpu.wait_indirect_dma semaphore(%arg7 : memref<!tpu.dma_semaphore, #tpu.memory_space<semaphore_mem>>) src(%dma_wait3A_375 : memref<1000000x32xf32, #tpu.memory_space<hbm>>) dst(%dma_wait3A_369 : memref<128x32xf32, #tpu.memory_space<vmem>>)
      %dma_wait3A_376 = arith.constant 0 : i32
      %dma_wait3A_377 = arith.constant 0 : i32
      %dma_wait3A_378 = arith.constant 384 : i32
      %dma_wait3A_379 = arith.constant 0 : i32
      %dma_wait3A_380 = tpu.memref_slice %arg6[%dma_wait3A_377, %dma_wait3A_378, %dma_wait3A_379] : memref<2x1024x32xf32, #tpu.memory_space<vmem>> -> memref<1x128x32xf32, #tpu.memory_space<vmem>>
      %dma_wait3A_381 = tpu.memref_squeeze %dma_wait3A_380 : memref<1x128x32xf32, #tpu.memory_space<vmem>> -> memref<128x32xf32, #tpu.memory_space<vmem>>
      %dma_wait3A_382 = arith.constant 384 : i32
      %dma_wait3A_383 = tpu.memref_slice %arg5[%dma_wait3A_376, %dma_wait3A_382] : memref<2x1024xi32, #tpu.memory_space<vmem>> -> memref<1x128xi32, #tpu.memory_space<vmem>>
      %dma_wait3A_384 = tpu.memref_squeeze %dma_wait3A_383 : memref<1x128xi32, #tpu.memory_space<vmem>> -> memref<128xi32, #tpu.memory_space<vmem>>
      %dma_wait3A_385 = arith.constant 0 : i32
      %dma_wait3A_386 = arith.constant 0 : i32
      %dma_wait3A_387 = tpu.memref_slice %arg3[%dma_wait3A_385, %dma_wait3A_386] : memref<1000000x32xf32, #tpu.memory_space<hbm>> -> memref<1000000x32xf32, #tpu.memory_space<hbm>>
      tpu.wait_indirect_dma semaphore(%arg7 : memref<!tpu.dma_semaphore, #tpu.memory_space<semaphore_mem>>) src(%dma_wait3A_387 : memref<1000000x32xf32, #tpu.memory_space<hbm>>) dst(%dma_wait3A_381 : memref<128x32xf32, #tpu.memory_space<vmem>>)
      %dma_wait3A_388 = arith.constant 0 : i32
      %dma_wait3A_389 = arith.constant 0 : i32
      %dma_wait3A_390 = arith.constant 512 : i32
      %dma_wait3A_391 = arith.constant 0 : i32
      %dma_wait3A_392 = tpu.memref_slice %arg6[%dma_wait3A_389, %dma_wait3A_390, %dma_wait3A_391] : memref<2x1024x32xf32, #tpu.memory_space<vmem>> -> memref<1x128x32xf32, #tpu.memory_space<vmem>>
      %dma_wait3A_393 = tpu.memref_squeeze %dma_wait3A_392 : memref<1x128x32xf32, #tpu.memory_space<vmem>> -> memref<128x32xf32, #tpu.memory_space<vmem>>
      %dma_wait3A_394 = arith.constant 512 : i32
      %dma_wait3A_395 = tpu.memref_slice %arg5[%dma_wait3A_388, %dma_wait3A_394] : memref<2x1024xi32, #tpu.memory_space<vmem>> -> memref<1x128xi32, #tpu.memory_space<vmem>>
      %dma_wait3A_396 = tpu.memref_squeeze %dma_wait3A_395 : memref<1x128xi32, #tpu.memory_space<vmem>> -> memref<128xi32, #tpu.memory_space<vmem>>
      %dma_wait3A_397 = arith.constant 0 : i32
      %dma_wait3A_398 = arith.constant 0 : i32
      %dma_wait3A_399 = tpu.memref_slice %arg3[%dma_wait3A_397, %dma_wait3A_398] : memref<1000000x32xf32, #tpu.memory_space<hbm>> -> memref<1000000x32xf32, #tpu.memory_space<hbm>>
      tpu.wait_indirect_dma semaphore(%arg7 : memref<!tpu.dma_semaphore, #tpu.memory_space<semaphore_mem>>) src(%dma_wait3A_399 : memref<1000000x32xf32, #tpu.memory_space<hbm>>) dst(%dma_wait3A_393 : memref<128x32xf32, #tpu.memory_space<vmem>>)
      %dma_wait3A_400 = arith.constant 0 : i32
      %dma_wait3A_401 = arith.constant 0 : i32
      %dma_wait3A_402 = arith.constant 640 : i32
      %dma_wait3A_403 = arith.constant 0 : i32
      %dma_wait3A_404 = tpu.memref_slice %arg6[%dma_wait3A_401, %dma_wait3A_402, %dma_wait3A_403] : memref<2x1024x32xf32, #tpu.memory_space<vmem>> -> memref<1x128x32xf32, #tpu.memory_space<vmem>>
      %dma_wait3A_405 = tpu.memref_squeeze %dma_wait3A_404 : memref<1x128x32xf32, #tpu.memory_space<vmem>> -> memref<128x32xf32, #tpu.memory_space<vmem>>
      %dma_wait3A_406 = arith.constant 640 : i32
      %dma_wait3A_407 = tpu.memref_slice %arg5[%dma_wait3A_400, %dma_wait3A_406] : memref<2x1024xi32, #tpu.memory_space<vmem>> -> memref<1x128xi32, #tpu.memory_space<vmem>>
      %dma_wait3A_408 = tpu.memref_squeeze %dma_wait3A_407 : memref<1x128xi32, #tpu.memory_space<vmem>> -> memref<128xi32, #tpu.memory_space<vmem>>
      %dma_wait3A_409 = arith.constant 0 : i32
      %dma_wait3A_410 = arith.constant 0 : i32
      %dma_wait3A_411 = tpu.memref_slice %arg3[%dma_wait3A_409, %dma_wait3A_410] : memref<1000000x32xf32, #tpu.memory_space<hbm>> -> memref<1000000x32xf32, #tpu.memory_space<hbm>>
      tpu.wait_indirect_dma semaphore(%arg7 : memref<!tpu.dma_semaphore, #tpu.memory_space<semaphore_mem>>) src(%dma_wait3A_411 : memref<1000000x32xf32, #tpu.memory_space<hbm>>) dst(%dma_wait3A_405 : memref<128x32xf32, #tpu.memory_space<vmem>>)
      %dma_wait3A_412 = arith.constant 0 : i32
      %dma_wait3A_413 = arith.constant 0 : i32
      %dma_wait3A_414 = arith.constant 768 : i32
      %dma_wait3A_415 = arith.constant 0 : i32
      %dma_wait3A_416 = tpu.memref_slice %arg6[%dma_wait3A_413, %dma_wait3A_414, %dma_wait3A_415] : memref<2x1024x32xf32, #tpu.memory_space<vmem>> -> memref<1x128x32xf32, #tpu.memory_space<vmem>>
      %dma_wait3A_417 = tpu.memref_squeeze %dma_wait3A_416 : memref<1x128x32xf32, #tpu.memory_space<vmem>> -> memref<128x32xf32, #tpu.memory_space<vmem>>
      %dma_wait3A_418 = arith.constant 768 : i32
      %dma_wait3A_419 = tpu.memref_slice %arg5[%dma_wait3A_412, %dma_wait3A_418] : memref<2x1024xi32, #tpu.memory_space<vmem>> -> memref<1x128xi32, #tpu.memory_space<vmem>>
      %dma_wait3A_420 = tpu.memref_squeeze %dma_wait3A_419 : memref<1x128xi32, #tpu.memory_space<vmem>> -> memref<128xi32, #tpu.memory_space<vmem>>
      %dma_wait3A_421 = arith.constant 0 : i32
      %dma_wait3A_422 = arith.constant 0 : i32
      %dma_wait3A_423 = tpu.memref_slice %arg3[%dma_wait3A_421, %dma_wait3A_422] : memref<1000000x32xf32, #tpu.memory_space<hbm>> -> memref<1000000x32xf32, #tpu.memory_space<hbm>>
      tpu.wait_indirect_dma semaphore(%arg7 : memref<!tpu.dma_semaphore, #tpu.memory_space<semaphore_mem>>) src(%dma_wait3A_423 : memref<1000000x32xf32, #tpu.memory_space<hbm>>) dst(%dma_wait3A_417 : memref<128x32xf32, #tpu.memory_space<vmem>>)
      %dma_wait3A_424 = arith.constant 0 : i32
      %dma_wait3A_425 = arith.constant 0 : i32
      %dma_wait3A_426 = arith.constant 896 : i32
      %dma_wait3A_427 = arith.constant 0 : i32
      %dma_wait3A_428 = tpu.memref_slice %arg6[%dma_wait3A_425, %dma_wait3A_426, %dma_wait3A_427] : memref<2x1024x32xf32, #tpu.memory_space<vmem>> -> memref<1x128x32xf32, #tpu.memory_space<vmem>>
      %dma_wait3A_429 = tpu.memref_squeeze %dma_wait3A_428 : memref<1x128x32xf32, #tpu.memory_space<vmem>> -> memref<128x32xf32, #tpu.memory_space<vmem>>
      %dma_wait3A_430 = arith.constant 896 : i32
      %dma_wait3A_431 = tpu.memref_slice %arg5[%dma_wait3A_424, %dma_wait3A_430] : memref<2x1024xi32, #tpu.memory_space<vmem>> -> memref<1x128xi32, #tpu.memory_space<vmem>>
      %dma_wait3A_432 = tpu.memref_squeeze %dma_wait3A_431 : memref<1x128xi32, #tpu.memory_space<vmem>> -> memref<128xi32, #tpu.memory_space<vmem>>
      %dma_wait3A_433 = arith.constant 0 : i32
      %dma_wait3A_434 = arith.constant 0 : i32
      %dma_wait3A_435 = tpu.memref_slice %arg3[%dma_wait3A_433, %dma_wait3A_434] : memref<1000000x32xf32, #tpu.memory_space<hbm>> -> memref<1000000x32xf32, #tpu.memory_space<hbm>>
      tpu.wait_indirect_dma semaphore(%arg7 : memref<!tpu.dma_semaphore, #tpu.memory_space<semaphore_mem>>) src(%dma_wait3A_435 : memref<1000000x32xf32, #tpu.memory_space<hbm>>) dst(%dma_wait3A_429 : memref<128x32xf32, #tpu.memory_space<vmem>>)
      %mul3A_436 = arith.constant 1024 : i32
      %mul3A_437 = arith.muli %add3A_237, %mul3A_436 : i32
      %add3A_438 = arith.addi %mul3A_4, %mul3A_437 : i32
      %dma_start3A_439 = arith.constant 0 : i32
      %dma_start3A_440 = arith.constant 0 : i32
      %dma_start3A_441 = arith.constant 0 : i32
      %dma_start3A_442 = tpu.memref_slice %arg6[%dma_start3A_439, %dma_start3A_440, %dma_start3A_441] : memref<2x1024x32xf32, #tpu.memory_space<vmem>> -> memref<1x1024x32xf32, #tpu.memory_space<vmem>>
      %dma_start3A_443 = tpu.memref_squeeze %dma_start3A_442 : memref<1x1024x32xf32, #tpu.memory_space<vmem>> -> memref<1024x32xf32, #tpu.memory_space<vmem>>
      %dma_start3A_444 = arith.constant 0 : i32
      %dma_start3A_445 = tpu.memref_slice %arg4[%add3A_438, %dma_start3A_444] : memref<819200x32xf32, #tpu.memory_space<hbm>> -> memref<1024x32xf32, #tpu.memory_space<hbm>>
      %dma_start3A_446 = arith.constant 0 : i32
      %dma_start3A_447 = tpu.memref_slice %arg4[%add3A_438, %dma_start3A_446] : memref<819200x32xf32, #tpu.memory_space<hbm>> -> memref<1024x32xf32, #tpu.memory_space<hbm>>
      %dma_start3A_448 = arith.constant 0 : i32
      %dma_start3A_449 = arith.constant 0 : i32
      %dma_start3A_450 = tpu.memref_slice %arg6[%dma_start3A_439, %dma_start3A_448, %dma_start3A_449] : memref<2x1024x32xf32, #tpu.memory_space<vmem>> -> memref<1x1024x32xf32, #tpu.memory_space<vmem>>
      %dma_start3A_451 = tpu.memref_squeeze %dma_start3A_450 : memref<1x1024x32xf32, #tpu.memory_space<vmem>> -> memref<1024x32xf32, #tpu.memory_space<vmem>>
      tpu.enqueue_dma source(%dma_start3A_451 : memref<1024x32xf32, #tpu.memory_space<vmem>>) target(%dma_start3A_447 : memref<1024x32xf32, #tpu.memory_space<hbm>>) target_semaphore(%arg9 : memref<!tpu.dma_semaphore, #tpu.memory_space<semaphore_mem>>)
      %dma_wait3A_452 = arith.constant 0 : i32
      %dma_wait3A_453 = arith.constant 0 : i32
      %dma_wait3A_454 = arith.constant 0 : i32
      %dma_wait3A_455 = tpu.memref_slice %arg6[%dma_wait3A_452, %dma_wait3A_453, %dma_wait3A_454] : memref<2x1024x32xf32, #tpu.memory_space<vmem>> -> memref<1x1024x32xf32, #tpu.memory_space<vmem>>
      %dma_wait3A_456 = tpu.memref_squeeze %dma_wait3A_455 : memref<1x1024x32xf32, #tpu.memory_space<vmem>> -> memref<1024x32xf32, #tpu.memory_space<vmem>>
      %dma_wait3A_457 = arith.constant 0 : i32
      %dma_wait3A_458 = tpu.memref_slice %arg4[%add3A_438, %dma_wait3A_457] : memref<819200x32xf32, #tpu.memory_space<hbm>> -> memref<1024x32xf32, #tpu.memory_space<hbm>>
      %dma_wait3A_459 = arith.constant 0 : i32
      %dma_wait3A_460 = tpu.memref_slice %arg4[%add3A_438, %dma_wait3A_459] : memref<819200x32xf32, #tpu.memory_space<hbm>> -> memref<1024x32xf32, #tpu.memory_space<hbm>>
      %dma_wait3A_461 = arith.constant 0 : i32
      %dma_wait3A_462 = arith.constant 0 : i32
      %dma_wait3A_463 = tpu.memref_slice %arg6[%dma_wait3A_452, %dma_wait3A_461, %dma_wait3A_462] : memref<2x1024x32xf32, #tpu.memory_space<vmem>> -> memref<1x1024x32xf32, #tpu.memory_space<vmem>>
      %dma_wait3A_464 = tpu.memref_squeeze %dma_wait3A_463 : memref<1x1024x32xf32, #tpu.memory_space<vmem>> -> memref<1024x32xf32, #tpu.memory_space<vmem>>
      tpu.wait_dma2 semaphore(%arg9 : memref<!tpu.dma_semaphore, #tpu.memory_space<semaphore_mem>>) src(%dma_wait3A_464 : memref<1024x32xf32, #tpu.memory_space<vmem>>) dst(%dma_wait3A_460 : memref<1024x32xf32, #tpu.memory_space<hbm>>)
      %mul3A_465 = arith.constant 2 : i32
      %mul3A_466 = arith.muli %mul3A_465, %add3A_233 : i32
      %add3A_467 = arith.constant 1 : i32
      %add3A_468 = arith.addi %mul3A_466, %add3A_467 : i32
      %add3A_469 = arith.constant 1 : i32
      %add3A_470 = arith.addi %add3A_468, %add3A_469 : i32
      %mul3A_471 = arith.constant 1024 : i32
      %mul3A_472 = arith.muli %add3A_470, %mul3A_471 : i32
      %add3A_473 = arith.addi %mul3A_4, %mul3A_472 : i32
      %run_scoped3A_474 = arith.constant 0 : i32
      "tpu.region"() ({
        %run_scoped3A_696 = tpu.sem_alloc : memref<!tpu.dma_semaphore, #tpu.memory_space<semaphore_mem>>
        %dma_start3A_697 = arith.constant 0 : i32
        %dma_start3A_698 = tpu.memref_slice %arg5[%run_scoped3A_474, %dma_start3A_697] : memref<2x1024xi32, #tpu.memory_space<vmem>> -> memref<1x1024xi32, #tpu.memory_space<vmem>>
        %dma_start3A_699 = tpu.memref_squeeze %dma_start3A_698 : memref<1x1024xi32, #tpu.memory_space<vmem>> -> memref<1024xi32, #tpu.memory_space<vmem>>
        %dma_start3A_700 = tpu.memref_slice %arg2[%add3A_473] : memref<819200xi32, #tpu.memory_space<hbm>> -> memref<1024xi32, #tpu.memory_space<hbm>>
        %dma_start3A_701 = arith.constant 0 : i32
        %dma_start3A_702 = tpu.memref_slice %arg5[%run_scoped3A_474, %dma_start3A_701] : memref<2x1024xi32, #tpu.memory_space<vmem>> -> memref<1x1024xi32, #tpu.memory_space<vmem>>
        %dma_start3A_703 = tpu.memref_squeeze %dma_start3A_702 : memref<1x1024xi32, #tpu.memory_space<vmem>> -> memref<1024xi32, #tpu.memory_space<vmem>>
        %dma_start3A_704 = tpu.memref_slice %arg2[%add3A_473] : memref<819200xi32, #tpu.memory_space<hbm>> -> memref<1024xi32, #tpu.memory_space<hbm>>
        tpu.enqueue_dma source(%dma_start3A_704 : memref<1024xi32, #tpu.memory_space<hbm>>) target(%dma_start3A_703 : memref<1024xi32, #tpu.memory_space<vmem>>) target_semaphore(%run_scoped3A_696 : memref<!tpu.dma_semaphore, #tpu.memory_space<semaphore_mem>>)
        %dma_wait3A_705 = arith.constant 0 : i32
        %dma_wait3A_706 = tpu.memref_slice %arg5[%run_scoped3A_474, %dma_wait3A_705] : memref<2x1024xi32, #tpu.memory_space<vmem>> -> memref<1x1024xi32, #tpu.memory_space<vmem>>
        %dma_wait3A_707 = tpu.memref_squeeze %dma_wait3A_706 : memref<1x1024xi32, #tpu.memory_space<vmem>> -> memref<1024xi32, #tpu.memory_space<vmem>>
        %dma_wait3A_708 = tpu.memref_slice %arg2[%add3A_473] : memref<819200xi32, #tpu.memory_space<hbm>> -> memref<1024xi32, #tpu.memory_space<hbm>>
        %dma_wait3A_709 = arith.constant 0 : i32
        %dma_wait3A_710 = tpu.memref_slice %arg5[%run_scoped3A_474, %dma_wait3A_709] : memref<2x1024xi32, #tpu.memory_space<vmem>> -> memref<1x1024xi32, #tpu.memory_space<vmem>>
        %dma_wait3A_711 = tpu.memref_squeeze %dma_wait3A_710 : memref<1x1024xi32, #tpu.memory_space<vmem>> -> memref<1024xi32, #tpu.memory_space<vmem>>
        %dma_wait3A_712 = tpu.memref_slice %arg2[%add3A_473] : memref<819200xi32, #tpu.memory_space<hbm>> -> memref<1024xi32, #tpu.memory_space<hbm>>
        tpu.wait_dma2 semaphore(%run_scoped3A_696 : memref<!tpu.dma_semaphore, #tpu.memory_space<semaphore_mem>>) src(%dma_wait3A_712 : memref<1024xi32, #tpu.memory_space<hbm>>) dst(%dma_wait3A_711 : memref<1024xi32, #tpu.memory_space<vmem>>)
        tpu.yield
      }) : () -> ()
      %dma_start3A_475 = arith.constant 0 : i32
      %dma_start3A_476 = arith.constant 0 : i32
      %dma_start3A_477 = arith.constant 0 : i32
      %dma_start3A_478 = arith.constant 0 : i32
      %dma_start3A_479 = tpu.memref_slice %arg6[%dma_start3A_476, %dma_start3A_477, %dma_start3A_478] : memref<2x1024x32xf32, #tpu.memory_space<vmem>> -> memref<1x128x32xf32, #tpu.memory_space<vmem>>
      %dma_start3A_480 = tpu.memref_squeeze %dma_start3A_479 : memref<1x128x32xf32, #tpu.memory_space<vmem>> -> memref<128x32xf32, #tpu.memory_space<vmem>>
      %dma_start3A_481 = arith.constant 0 : i32
      %dma_start3A_482 = tpu.memref_slice %arg5[%dma_start3A_475, %dma_start3A_481] : memref<2x1024xi32, #tpu.memory_space<vmem>> -> memref<1x128xi32, #tpu.memory_space<vmem>>
      %dma_start3A_483 = tpu.memref_squeeze %dma_start3A_482 : memref<1x128xi32, #tpu.memory_space<vmem>> -> memref<128xi32, #tpu.memory_space<vmem>>
      %dma_start3A_484 = arith.constant 0 : i32
      %dma_start3A_485 = arith.constant 0 : i32
      %dma_start3A_486 = tpu.memref_slice %arg3[%dma_start3A_484, %dma_start3A_485] : memref<1000000x32xf32, #tpu.memory_space<hbm>> -> memref<1000000x32xf32, #tpu.memory_space<hbm>>
      tpu.enqueue_indirect_dma source(%dma_start3A_486 : memref<1000000x32xf32, #tpu.memory_space<hbm>>) target(%dma_start3A_480 : memref<128x32xf32, #tpu.memory_space<vmem>>) offsets(%dma_start3A_483 : memref<128xi32, #tpu.memory_space<vmem>>) semaphore(%arg7 : memref<!tpu.dma_semaphore, #tpu.memory_space<semaphore_mem>>)
      %dma_start3A_487 = arith.constant 0 : i32
      %dma_start3A_488 = arith.constant 0 : i32
      %dma_start3A_489 = arith.constant 128 : i32
      %dma_start3A_490 = arith.constant 0 : i32
      %dma_start3A_491 = tpu.memref_slice %arg6[%dma_start3A_488, %dma_start3A_489, %dma_start3A_490] : memref<2x1024x32xf32, #tpu.memory_space<vmem>> -> memref<1x128x32xf32, #tpu.memory_space<vmem>>
      %dma_start3A_492 = tpu.memref_squeeze %dma_start3A_491 : memref<1x128x32xf32, #tpu.memory_space<vmem>> -> memref<128x32xf32, #tpu.memory_space<vmem>>
      %dma_start3A_493 = arith.constant 128 : i32
      %dma_start3A_494 = tpu.memref_slice %arg5[%dma_start3A_487, %dma_start3A_493] : memref<2x1024xi32, #tpu.memory_space<vmem>> -> memref<1x128xi32, #tpu.memory_space<vmem>>
      %dma_start3A_495 = tpu.memref_squeeze %dma_start3A_494 : memref<1x128xi32, #tpu.memory_space<vmem>> -> memref<128xi32, #tpu.memory_space<vmem>>
      %dma_start3A_496 = arith.constant 0 : i32
      %dma_start3A_497 = arith.constant 0 : i32
      %dma_start3A_498 = tpu.memref_slice %arg3[%dma_start3A_496, %dma_start3A_497] : memref<1000000x32xf32, #tpu.memory_space<hbm>> -> memref<1000000x32xf32, #tpu.memory_space<hbm>>
      tpu.enqueue_indirect_dma source(%dma_start3A_498 : memref<1000000x32xf32, #tpu.memory_space<hbm>>) target(%dma_start3A_492 : memref<128x32xf32, #tpu.memory_space<vmem>>) offsets(%dma_start3A_495 : memref<128xi32, #tpu.memory_space<vmem>>) semaphore(%arg7 : memref<!tpu.dma_semaphore, #tpu.memory_space<semaphore_mem>>)
      %dma_start3A_499 = arith.constant 0 : i32
      %dma_start3A_500 = arith.constant 0 : i32
      %dma_start3A_501 = arith.constant 256 : i32
      %dma_start3A_502 = arith.constant 0 : i32
      %dma_start3A_503 = tpu.memref_slice %arg6[%dma_start3A_500, %dma_start3A_501, %dma_start3A_502] : memref<2x1024x32xf32, #tpu.memory_space<vmem>> -> memref<1x128x32xf32, #tpu.memory_space<vmem>>
      %dma_start3A_504 = tpu.memref_squeeze %dma_start3A_503 : memref<1x128x32xf32, #tpu.memory_space<vmem>> -> memref<128x32xf32, #tpu.memory_space<vmem>>
      %dma_start3A_505 = arith.constant 256 : i32
      %dma_start3A_506 = tpu.memref_slice %arg5[%dma_start3A_499, %dma_start3A_505] : memref<2x1024xi32, #tpu.memory_space<vmem>> -> memref<1x128xi32, #tpu.memory_space<vmem>>
      %dma_start3A_507 = tpu.memref_squeeze %dma_start3A_506 : memref<1x128xi32, #tpu.memory_space<vmem>> -> memref<128xi32, #tpu.memory_space<vmem>>
      %dma_start3A_508 = arith.constant 0 : i32
      %dma_start3A_509 = arith.constant 0 : i32
      %dma_start3A_510 = tpu.memref_slice %arg3[%dma_start3A_508, %dma_start3A_509] : memref<1000000x32xf32, #tpu.memory_space<hbm>> -> memref<1000000x32xf32, #tpu.memory_space<hbm>>
      tpu.enqueue_indirect_dma source(%dma_start3A_510 : memref<1000000x32xf32, #tpu.memory_space<hbm>>) target(%dma_start3A_504 : memref<128x32xf32, #tpu.memory_space<vmem>>) offsets(%dma_start3A_507 : memref<128xi32, #tpu.memory_space<vmem>>) semaphore(%arg7 : memref<!tpu.dma_semaphore, #tpu.memory_space<semaphore_mem>>)
      %dma_start3A_511 = arith.constant 0 : i32
      %dma_start3A_512 = arith.constant 0 : i32
      %dma_start3A_513 = arith.constant 384 : i32
      %dma_start3A_514 = arith.constant 0 : i32
      %dma_start3A_515 = tpu.memref_slice %arg6[%dma_start3A_512, %dma_start3A_513, %dma_start3A_514] : memref<2x1024x32xf32, #tpu.memory_space<vmem>> -> memref<1x128x32xf32, #tpu.memory_space<vmem>>
      %dma_start3A_516 = tpu.memref_squeeze %dma_start3A_515 : memref<1x128x32xf32, #tpu.memory_space<vmem>> -> memref<128x32xf32, #tpu.memory_space<vmem>>
      %dma_start3A_517 = arith.constant 384 : i32
      %dma_start3A_518 = tpu.memref_slice %arg5[%dma_start3A_511, %dma_start3A_517] : memref<2x1024xi32, #tpu.memory_space<vmem>> -> memref<1x128xi32, #tpu.memory_space<vmem>>
      %dma_start3A_519 = tpu.memref_squeeze %dma_start3A_518 : memref<1x128xi32, #tpu.memory_space<vmem>> -> memref<128xi32, #tpu.memory_space<vmem>>
      %dma_start3A_520 = arith.constant 0 : i32
      %dma_start3A_521 = arith.constant 0 : i32
      %dma_start3A_522 = tpu.memref_slice %arg3[%dma_start3A_520, %dma_start3A_521] : memref<1000000x32xf32, #tpu.memory_space<hbm>> -> memref<1000000x32xf32, #tpu.memory_space<hbm>>
      tpu.enqueue_indirect_dma source(%dma_start3A_522 : memref<1000000x32xf32, #tpu.memory_space<hbm>>) target(%dma_start3A_516 : memref<128x32xf32, #tpu.memory_space<vmem>>) offsets(%dma_start3A_519 : memref<128xi32, #tpu.memory_space<vmem>>) semaphore(%arg7 : memref<!tpu.dma_semaphore, #tpu.memory_space<semaphore_mem>>)
      %dma_start3A_523 = arith.constant 0 : i32
      %dma_start3A_524 = arith.constant 0 : i32
      %dma_start3A_525 = arith.constant 512 : i32
      %dma_start3A_526 = arith.constant 0 : i32
      %dma_start3A_527 = tpu.memref_slice %arg6[%dma_start3A_524, %dma_start3A_525, %dma_start3A_526] : memref<2x1024x32xf32, #tpu.memory_space<vmem>> -> memref<1x128x32xf32, #tpu.memory_space<vmem>>
      %dma_start3A_528 = tpu.memref_squeeze %dma_start3A_527 : memref<1x128x32xf32, #tpu.memory_space<vmem>> -> memref<128x32xf32, #tpu.memory_space<vmem>>
      %dma_start3A_529 = arith.constant 512 : i32
      %dma_start3A_530 = tpu.memref_slice %arg5[%dma_start3A_523, %dma_start3A_529] : memref<2x1024xi32, #tpu.memory_space<vmem>> -> memref<1x128xi32, #tpu.memory_space<vmem>>
      %dma_start3A_531 = tpu.memref_squeeze %dma_start3A_530 : memref<1x128xi32, #tpu.memory_space<vmem>> -> memref<128xi32, #tpu.memory_space<vmem>>
      %dma_start3A_532 = arith.constant 0 : i32
      %dma_start3A_533 = arith.constant 0 : i32
      %dma_start3A_534 = tpu.memref_slice %arg3[%dma_start3A_532, %dma_start3A_533] : memref<1000000x32xf32, #tpu.memory_space<hbm>> -> memref<1000000x32xf32, #tpu.memory_space<hbm>>
      tpu.enqueue_indirect_dma source(%dma_start3A_534 : memref<1000000x32xf32, #tpu.memory_space<hbm>>) target(%dma_start3A_528 : memref<128x32xf32, #tpu.memory_space<vmem>>) offsets(%dma_start3A_531 : memref<128xi32, #tpu.memory_space<vmem>>) semaphore(%arg7 : memref<!tpu.dma_semaphore, #tpu.memory_space<semaphore_mem>>)
      %dma_start3A_535 = arith.constant 0 : i32
      %dma_start3A_536 = arith.constant 0 : i32
      %dma_start3A_537 = arith.constant 640 : i32
      %dma_start3A_538 = arith.constant 0 : i32
      %dma_start3A_539 = tpu.memref_slice %arg6[%dma_start3A_536, %dma_start3A_537, %dma_start3A_538] : memref<2x1024x32xf32, #tpu.memory_space<vmem>> -> memref<1x128x32xf32, #tpu.memory_space<vmem>>
      %dma_start3A_540 = tpu.memref_squeeze %dma_start3A_539 : memref<1x128x32xf32, #tpu.memory_space<vmem>> -> memref<128x32xf32, #tpu.memory_space<vmem>>
      %dma_start3A_541 = arith.constant 640 : i32
      %dma_start3A_542 = tpu.memref_slice %arg5[%dma_start3A_535, %dma_start3A_541] : memref<2x1024xi32, #tpu.memory_space<vmem>> -> memref<1x128xi32, #tpu.memory_space<vmem>>
      %dma_start3A_543 = tpu.memref_squeeze %dma_start3A_542 : memref<1x128xi32, #tpu.memory_space<vmem>> -> memref<128xi32, #tpu.memory_space<vmem>>
      %dma_start3A_544 = arith.constant 0 : i32
      %dma_start3A_545 = arith.constant 0 : i32
      %dma_start3A_546 = tpu.memref_slice %arg3[%dma_start3A_544, %dma_start3A_545] : memref<1000000x32xf32, #tpu.memory_space<hbm>> -> memref<1000000x32xf32, #tpu.memory_space<hbm>>
      tpu.enqueue_indirect_dma source(%dma_start3A_546 : memref<1000000x32xf32, #tpu.memory_space<hbm>>) target(%dma_start3A_540 : memref<128x32xf32, #tpu.memory_space<vmem>>) offsets(%dma_start3A_543 : memref<128xi32, #tpu.memory_space<vmem>>) semaphore(%arg7 : memref<!tpu.dma_semaphore, #tpu.memory_space<semaphore_mem>>)
      %dma_start3A_547 = arith.constant 0 : i32
      %dma_start3A_548 = arith.constant 0 : i32
      %dma_start3A_549 = arith.constant 768 : i32
      %dma_start3A_550 = arith.constant 0 : i32
      %dma_start3A_551 = tpu.memref_slice %arg6[%dma_start3A_548, %dma_start3A_549, %dma_start3A_550] : memref<2x1024x32xf32, #tpu.memory_space<vmem>> -> memref<1x128x32xf32, #tpu.memory_space<vmem>>
      %dma_start3A_552 = tpu.memref_squeeze %dma_start3A_551 : memref<1x128x32xf32, #tpu.memory_space<vmem>> -> memref<128x32xf32, #tpu.memory_space<vmem>>
      %dma_start3A_553 = arith.constant 768 : i32
      %dma_start3A_554 = tpu.memref_slice %arg5[%dma_start3A_547, %dma_start3A_553] : memref<2x1024xi32, #tpu.memory_space<vmem>> -> memref<1x128xi32, #tpu.memory_space<vmem>>
      %dma_start3A_555 = tpu.memref_squeeze %dma_start3A_554 : memref<1x128xi32, #tpu.memory_space<vmem>> -> memref<128xi32, #tpu.memory_space<vmem>>
      %dma_start3A_556 = arith.constant 0 : i32
      %dma_start3A_557 = arith.constant 0 : i32
      %dma_start3A_558 = tpu.memref_slice %arg3[%dma_start3A_556, %dma_start3A_557] : memref<1000000x32xf32, #tpu.memory_space<hbm>> -> memref<1000000x32xf32, #tpu.memory_space<hbm>>
      tpu.enqueue_indirect_dma source(%dma_start3A_558 : memref<1000000x32xf32, #tpu.memory_space<hbm>>) target(%dma_start3A_552 : memref<128x32xf32, #tpu.memory_space<vmem>>) offsets(%dma_start3A_555 : memref<128xi32, #tpu.memory_space<vmem>>) semaphore(%arg7 : memref<!tpu.dma_semaphore, #tpu.memory_space<semaphore_mem>>)
      %dma_start3A_559 = arith.constant 0 : i32
      %dma_start3A_560 = arith.constant 0 : i32
      %dma_start3A_561 = arith.constant 896 : i32
      %dma_start3A_562 = arith.constant 0 : i32
      %dma_start3A_563 = tpu.memref_slice %arg6[%dma_start3A_560, %dma_start3A_561, %dma_start3A_562] : memref<2x1024x32xf32, #tpu.memory_space<vmem>> -> memref<1x128x32xf32, #tpu.memory_space<vmem>>
      %dma_start3A_564 = tpu.memref_squeeze %dma_start3A_563 : memref<1x128x32xf32, #tpu.memory_space<vmem>> -> memref<128x32xf32, #tpu.memory_space<vmem>>
      %dma_start3A_565 = arith.constant 896 : i32
      %dma_start3A_566 = tpu.memref_slice %arg5[%dma_start3A_559, %dma_start3A_565] : memref<2x1024xi32, #tpu.memory_space<vmem>> -> memref<1x128xi32, #tpu.memory_space<vmem>>
      %dma_start3A_567 = tpu.memref_squeeze %dma_start3A_566 : memref<1x128xi32, #tpu.memory_space<vmem>> -> memref<128xi32, #tpu.memory_space<vmem>>
      %dma_start3A_568 = arith.constant 0 : i32
      %dma_start3A_569 = arith.constant 0 : i32
      %dma_start3A_570 = tpu.memref_slice %arg3[%dma_start3A_568, %dma_start3A_569] : memref<1000000x32xf32, #tpu.memory_space<hbm>> -> memref<1000000x32xf32, #tpu.memory_space<hbm>>
      tpu.enqueue_indirect_dma source(%dma_start3A_570 : memref<1000000x32xf32, #tpu.memory_space<hbm>>) target(%dma_start3A_564 : memref<128x32xf32, #tpu.memory_space<vmem>>) offsets(%dma_start3A_567 : memref<128xi32, #tpu.memory_space<vmem>>) semaphore(%arg7 : memref<!tpu.dma_semaphore, #tpu.memory_space<semaphore_mem>>)
      %dma_wait3A_571 = arith.constant 1 : i32
      %dma_wait3A_572 = arith.constant 1 : i32
      %dma_wait3A_573 = arith.constant 0 : i32
      %dma_wait3A_574 = arith.constant 0 : i32
      %dma_wait3A_575 = tpu.memref_slice %arg6[%dma_wait3A_572, %dma_wait3A_573, %dma_wait3A_574] : memref<2x1024x32xf32, #tpu.memory_space<vmem>> -> memref<1x128x32xf32, #tpu.memory_space<vmem>>
      %dma_wait3A_576 = tpu.memref_squeeze %dma_wait3A_575 : memref<1x128x32xf32, #tpu.memory_space<vmem>> -> memref<128x32xf32, #tpu.memory_space<vmem>>
      %dma_wait3A_577 = arith.constant 0 : i32
      %dma_wait3A_578 = tpu.memref_slice %arg5[%dma_wait3A_571, %dma_wait3A_577] : memref<2x1024xi32, #tpu.memory_space<vmem>> -> memref<1x128xi32, #tpu.memory_space<vmem>>
      %dma_wait3A_579 = tpu.memref_squeeze %dma_wait3A_578 : memref<1x128xi32, #tpu.memory_space<vmem>> -> memref<128xi32, #tpu.memory_space<vmem>>
      %dma_wait3A_580 = arith.constant 0 : i32
      %dma_wait3A_581 = arith.constant 0 : i32
      %dma_wait3A_582 = tpu.memref_slice %arg3[%dma_wait3A_580, %dma_wait3A_581] : memref<1000000x32xf32, #tpu.memory_space<hbm>> -> memref<1000000x32xf32, #tpu.memory_space<hbm>>
      tpu.wait_indirect_dma semaphore(%arg8 : memref<!tpu.dma_semaphore, #tpu.memory_space<semaphore_mem>>) src(%dma_wait3A_582 : memref<1000000x32xf32, #tpu.memory_space<hbm>>) dst(%dma_wait3A_576 : memref<128x32xf32, #tpu.memory_space<vmem>>)
      %dma_wait3A_583 = arith.constant 1 : i32
      %dma_wait3A_584 = arith.constant 1 : i32
      %dma_wait3A_585 = arith.constant 128 : i32
      %dma_wait3A_586 = arith.constant 0 : i32
      %dma_wait3A_587 = tpu.memref_slice %arg6[%dma_wait3A_584, %dma_wait3A_585, %dma_wait3A_586] : memref<2x1024x32xf32, #tpu.memory_space<vmem>> -> memref<1x128x32xf32, #tpu.memory_space<vmem>>
      %dma_wait3A_588 = tpu.memref_squeeze %dma_wait3A_587 : memref<1x128x32xf32, #tpu.memory_space<vmem>> -> memref<128x32xf32, #tpu.memory_space<vmem>>
      %dma_wait3A_589 = arith.constant 128 : i32
      %dma_wait3A_590 = tpu.memref_slice %arg5[%dma_wait3A_583, %dma_wait3A_589] : memref<2x1024xi32, #tpu.memory_space<vmem>> -> memref<1x128xi32, #tpu.memory_space<vmem>>
      %dma_wait3A_591 = tpu.memref_squeeze %dma_wait3A_590 : memref<1x128xi32, #tpu.memory_space<vmem>> -> memref<128xi32, #tpu.memory_space<vmem>>
      %dma_wait3A_592 = arith.constant 0 : i32
      %dma_wait3A_593 = arith.constant 0 : i32
      %dma_wait3A_594 = tpu.memref_slice %arg3[%dma_wait3A_592, %dma_wait3A_593] : memref<1000000x32xf32, #tpu.memory_space<hbm>> -> memref<1000000x32xf32, #tpu.memory_space<hbm>>
      tpu.wait_indirect_dma semaphore(%arg8 : memref<!tpu.dma_semaphore, #tpu.memory_space<semaphore_mem>>) src(%dma_wait3A_594 : memref<1000000x32xf32, #tpu.memory_space<hbm>>) dst(%dma_wait3A_588 : memref<128x32xf32, #tpu.memory_space<vmem>>)
      %dma_wait3A_595 = arith.constant 1 : i32
      %dma_wait3A_596 = arith.constant 1 : i32
      %dma_wait3A_597 = arith.constant 256 : i32
      %dma_wait3A_598 = arith.constant 0 : i32
      %dma_wait3A_599 = tpu.memref_slice %arg6[%dma_wait3A_596, %dma_wait3A_597, %dma_wait3A_598] : memref<2x1024x32xf32, #tpu.memory_space<vmem>> -> memref<1x128x32xf32, #tpu.memory_space<vmem>>
      %dma_wait3A_600 = tpu.memref_squeeze %dma_wait3A_599 : memref<1x128x32xf32, #tpu.memory_space<vmem>> -> memref<128x32xf32, #tpu.memory_space<vmem>>
      %dma_wait3A_601 = arith.constant 256 : i32
      %dma_wait3A_602 = tpu.memref_slice %arg5[%dma_wait3A_595, %dma_wait3A_601] : memref<2x1024xi32, #tpu.memory_space<vmem>> -> memref<1x128xi32, #tpu.memory_space<vmem>>
      %dma_wait3A_603 = tpu.memref_squeeze %dma_wait3A_602 : memref<1x128xi32, #tpu.memory_space<vmem>> -> memref<128xi32, #tpu.memory_space<vmem>>
      %dma_wait3A_604 = arith.constant 0 : i32
      %dma_wait3A_605 = arith.constant 0 : i32
      %dma_wait3A_606 = tpu.memref_slice %arg3[%dma_wait3A_604, %dma_wait3A_605] : memref<1000000x32xf32, #tpu.memory_space<hbm>> -> memref<1000000x32xf32, #tpu.memory_space<hbm>>
      tpu.wait_indirect_dma semaphore(%arg8 : memref<!tpu.dma_semaphore, #tpu.memory_space<semaphore_mem>>) src(%dma_wait3A_606 : memref<1000000x32xf32, #tpu.memory_space<hbm>>) dst(%dma_wait3A_600 : memref<128x32xf32, #tpu.memory_space<vmem>>)
      %dma_wait3A_607 = arith.constant 1 : i32
      %dma_wait3A_608 = arith.constant 1 : i32
      %dma_wait3A_609 = arith.constant 384 : i32
      %dma_wait3A_610 = arith.constant 0 : i32
      %dma_wait3A_611 = tpu.memref_slice %arg6[%dma_wait3A_608, %dma_wait3A_609, %dma_wait3A_610] : memref<2x1024x32xf32, #tpu.memory_space<vmem>> -> memref<1x128x32xf32, #tpu.memory_space<vmem>>
      %dma_wait3A_612 = tpu.memref_squeeze %dma_wait3A_611 : memref<1x128x32xf32, #tpu.memory_space<vmem>> -> memref<128x32xf32, #tpu.memory_space<vmem>>
      %dma_wait3A_613 = arith.constant 384 : i32
      %dma_wait3A_614 = tpu.memref_slice %arg5[%dma_wait3A_607, %dma_wait3A_613] : memref<2x1024xi32, #tpu.memory_space<vmem>> -> memref<1x128xi32, #tpu.memory_space<vmem>>
      %dma_wait3A_615 = tpu.memref_squeeze %dma_wait3A_614 : memref<1x128xi32, #tpu.memory_space<vmem>> -> memref<128xi32, #tpu.memory_space<vmem>>
      %dma_wait3A_616 = arith.constant 0 : i32
      %dma_wait3A_617 = arith.constant 0 : i32
      %dma_wait3A_618 = tpu.memref_slice %arg3[%dma_wait3A_616, %dma_wait3A_617] : memref<1000000x32xf32, #tpu.memory_space<hbm>> -> memref<1000000x32xf32, #tpu.memory_space<hbm>>
      tpu.wait_indirect_dma semaphore(%arg8 : memref<!tpu.dma_semaphore, #tpu.memory_space<semaphore_mem>>) src(%dma_wait3A_618 : memref<1000000x32xf32, #tpu.memory_space<hbm>>) dst(%dma_wait3A_612 : memref<128x32xf32, #tpu.memory_space<vmem>>)
      %dma_wait3A_619 = arith.constant 1 : i32
      %dma_wait3A_620 = arith.constant 1 : i32
      %dma_wait3A_621 = arith.constant 512 : i32
      %dma_wait3A_622 = arith.constant 0 : i32
      %dma_wait3A_623 = tpu.memref_slice %arg6[%dma_wait3A_620, %dma_wait3A_621, %dma_wait3A_622] : memref<2x1024x32xf32, #tpu.memory_space<vmem>> -> memref<1x128x32xf32, #tpu.memory_space<vmem>>
      %dma_wait3A_624 = tpu.memref_squeeze %dma_wait3A_623 : memref<1x128x32xf32, #tpu.memory_space<vmem>> -> memref<128x32xf32, #tpu.memory_space<vmem>>
      %dma_wait3A_625 = arith.constant 512 : i32
      %dma_wait3A_626 = tpu.memref_slice %arg5[%dma_wait3A_619, %dma_wait3A_625] : memref<2x1024xi32, #tpu.memory_space<vmem>> -> memref<1x128xi32, #tpu.memory_space<vmem>>
      %dma_wait3A_627 = tpu.memref_squeeze %dma_wait3A_626 : memref<1x128xi32, #tpu.memory_space<vmem>> -> memref<128xi32, #tpu.memory_space<vmem>>
      %dma_wait3A_628 = arith.constant 0 : i32
      %dma_wait3A_629 = arith.constant 0 : i32
      %dma_wait3A_630 = tpu.memref_slice %arg3[%dma_wait3A_628, %dma_wait3A_629] : memref<1000000x32xf32, #tpu.memory_space<hbm>> -> memref<1000000x32xf32, #tpu.memory_space<hbm>>
      tpu.wait_indirect_dma semaphore(%arg8 : memref<!tpu.dma_semaphore, #tpu.memory_space<semaphore_mem>>) src(%dma_wait3A_630 : memref<1000000x32xf32, #tpu.memory_space<hbm>>) dst(%dma_wait3A_624 : memref<128x32xf32, #tpu.memory_space<vmem>>)
      %dma_wait3A_631 = arith.constant 1 : i32
      %dma_wait3A_632 = arith.constant 1 : i32
      %dma_wait3A_633 = arith.constant 640 : i32
      %dma_wait3A_634 = arith.constant 0 : i32
      %dma_wait3A_635 = tpu.memref_slice %arg6[%dma_wait3A_632, %dma_wait3A_633, %dma_wait3A_634] : memref<2x1024x32xf32, #tpu.memory_space<vmem>> -> memref<1x128x32xf32, #tpu.memory_space<vmem>>
      %dma_wait3A_636 = tpu.memref_squeeze %dma_wait3A_635 : memref<1x128x32xf32, #tpu.memory_space<vmem>> -> memref<128x32xf32, #tpu.memory_space<vmem>>
      %dma_wait3A_637 = arith.constant 640 : i32
      %dma_wait3A_638 = tpu.memref_slice %arg5[%dma_wait3A_631, %dma_wait3A_637] : memref<2x1024xi32, #tpu.memory_space<vmem>> -> memref<1x128xi32, #tpu.memory_space<vmem>>
      %dma_wait3A_639 = tpu.memref_squeeze %dma_wait3A_638 : memref<1x128xi32, #tpu.memory_space<vmem>> -> memref<128xi32, #tpu.memory_space<vmem>>
      %dma_wait3A_640 = arith.constant 0 : i32
      %dma_wait3A_641 = arith.constant 0 : i32
      %dma_wait3A_642 = tpu.memref_slice %arg3[%dma_wait3A_640, %dma_wait3A_641] : memref<1000000x32xf32, #tpu.memory_space<hbm>> -> memref<1000000x32xf32, #tpu.memory_space<hbm>>
      tpu.wait_indirect_dma semaphore(%arg8 : memref<!tpu.dma_semaphore, #tpu.memory_space<semaphore_mem>>) src(%dma_wait3A_642 : memref<1000000x32xf32, #tpu.memory_space<hbm>>) dst(%dma_wait3A_636 : memref<128x32xf32, #tpu.memory_space<vmem>>)
      %dma_wait3A_643 = arith.constant 1 : i32
      %dma_wait3A_644 = arith.constant 1 : i32
      %dma_wait3A_645 = arith.constant 768 : i32
      %dma_wait3A_646 = arith.constant 0 : i32
      %dma_wait3A_647 = tpu.memref_slice %arg6[%dma_wait3A_644, %dma_wait3A_645, %dma_wait3A_646] : memref<2x1024x32xf32, #tpu.memory_space<vmem>> -> memref<1x128x32xf32, #tpu.memory_space<vmem>>
      %dma_wait3A_648 = tpu.memref_squeeze %dma_wait3A_647 : memref<1x128x32xf32, #tpu.memory_space<vmem>> -> memref<128x32xf32, #tpu.memory_space<vmem>>
      %dma_wait3A_649 = arith.constant 768 : i32
      %dma_wait3A_650 = tpu.memref_slice %arg5[%dma_wait3A_643, %dma_wait3A_649] : memref<2x1024xi32, #tpu.memory_space<vmem>> -> memref<1x128xi32, #tpu.memory_space<vmem>>
      %dma_wait3A_651 = tpu.memref_squeeze %dma_wait3A_650 : memref<1x128xi32, #tpu.memory_space<vmem>> -> memref<128xi32, #tpu.memory_space<vmem>>
      %dma_wait3A_652 = arith.constant 0 : i32
      %dma_wait3A_653 = arith.constant 0 : i32
      %dma_wait3A_654 = tpu.memref_slice %arg3[%dma_wait3A_652, %dma_wait3A_653] : memref<1000000x32xf32, #tpu.memory_space<hbm>> -> memref<1000000x32xf32, #tpu.memory_space<hbm>>
      tpu.wait_indirect_dma semaphore(%arg8 : memref<!tpu.dma_semaphore, #tpu.memory_space<semaphore_mem>>) src(%dma_wait3A_654 : memref<1000000x32xf32, #tpu.memory_space<hbm>>) dst(%dma_wait3A_648 : memref<128x32xf32, #tpu.memory_space<vmem>>)
      %dma_wait3A_655 = arith.constant 1 : i32
      %dma_wait3A_656 = arith.constant 1 : i32
      %dma_wait3A_657 = arith.constant 896 : i32
      %dma_wait3A_658 = arith.constant 0 : i32
      %dma_wait3A_659 = tpu.memref_slice %arg6[%dma_wait3A_656, %dma_wait3A_657, %dma_wait3A_658] : memref<2x1024x32xf32, #tpu.memory_space<vmem>> -> memref<1x128x32xf32, #tpu.memory_space<vmem>>
      %dma_wait3A_660 = tpu.memref_squeeze %dma_wait3A_659 : memref<1x128x32xf32, #tpu.memory_space<vmem>> -> memref<128x32xf32, #tpu.memory_space<vmem>>
      %dma_wait3A_661 = arith.constant 896 : i32
      %dma_wait3A_662 = tpu.memref_slice %arg5[%dma_wait3A_655, %dma_wait3A_661] : memref<2x1024xi32, #tpu.memory_space<vmem>> -> memref<1x128xi32, #tpu.memory_space<vmem>>
      %dma_wait3A_663 = tpu.memref_squeeze %dma_wait3A_662 : memref<1x128xi32, #tpu.memory_space<vmem>> -> memref<128xi32, #tpu.memory_space<vmem>>
      %dma_wait3A_664 = arith.constant 0 : i32
      %dma_wait3A_665 = arith.constant 0 : i32
      %dma_wait3A_666 = tpu.memref_slice %arg3[%dma_wait3A_664, %dma_wait3A_665] : memref<1000000x32xf32, #tpu.memory_space<hbm>> -> memref<1000000x32xf32, #tpu.memory_space<hbm>>
      tpu.wait_indirect_dma semaphore(%arg8 : memref<!tpu.dma_semaphore, #tpu.memory_space<semaphore_mem>>) src(%dma_wait3A_666 : memref<1000000x32xf32, #tpu.memory_space<hbm>>) dst(%dma_wait3A_660 : memref<128x32xf32, #tpu.memory_space<vmem>>)
      %mul3A_667 = arith.constant 1024 : i32
      %mul3A_668 = arith.muli %add3A_468, %mul3A_667 : i32
      %add3A_669 = arith.addi %mul3A_4, %mul3A_668 : i32
      %dma_start3A_670 = arith.constant 1 : i32
      %dma_start3A_671 = arith.constant 0 : i32
      %dma_start3A_672 = arith.constant 0 : i32
      %dma_start3A_673 = tpu.memref_slice %arg6[%dma_start3A_670, %dma_start3A_671, %dma_start3A_672] : memref<2x1024x32xf32, #tpu.memory_space<vmem>> -> memref<1x1024x32xf32, #tpu.memory_space<vmem>>
      %dma_start3A_674 = tpu.memref_squeeze %dma_start3A_673 : memref<1x1024x32xf32, #tpu.memory_space<vmem>> -> memref<1024x32xf32, #tpu.memory_space<vmem>>
      %dma_start3A_675 = arith.constant 0 : i32
      %dma_start3A_676 = tpu.memref_slice %arg4[%add3A_669, %dma_start3A_675] : memref<819200x32xf32, #tpu.memory_space<hbm>> -> memref<1024x32xf32, #tpu.memory_space<hbm>>
      %dma_start3A_677 = arith.constant 0 : i32
      %dma_start3A_678 = tpu.memref_slice %arg4[%add3A_669, %dma_start3A_677] : memref<819200x32xf32, #tpu.memory_space<hbm>> -> memref<1024x32xf32, #tpu.memory_space<hbm>>
      %dma_start3A_679 = arith.constant 0 : i32
      %dma_start3A_680 = arith.constant 0 : i32
      %dma_start3A_681 = tpu.memref_slice %arg6[%dma_start3A_670, %dma_start3A_679, %dma_start3A_680] : memref<2x1024x32xf32, #tpu.memory_space<vmem>> -> memref<1x1024x32xf32, #tpu.memory_space<vmem>>
      %dma_start3A_682 = tpu.memref_squeeze %dma_start3A_681 : memref<1x1024x32xf32, #tpu.memory_space<vmem>> -> memref<1024x32xf32, #tpu.memory_space<vmem>>
      tpu.enqueue_dma source(%dma_start3A_682 : memref<1024x32xf32, #tpu.memory_space<vmem>>) target(%dma_start3A_678 : memref<1024x32xf32, #tpu.memory_space<hbm>>) target_semaphore(%arg9 : memref<!tpu.dma_semaphore, #tpu.memory_space<semaphore_mem>>)
      %dma_wait3A_683 = arith.constant 1 : i32
      %dma_wait3A_684 = arith.constant 0 : i32
      %dma_wait3A_685 = arith.constant 0 : i32
      %dma_wait3A_686 = tpu.memref_slice %arg6[%dma_wait3A_683, %dma_wait3A_684, %dma_wait3A_685] : memref<2x1024x32xf32, #tpu.memory_space<vmem>> -> memref<1x1024x32xf32, #tpu.memory_space<vmem>>
      %dma_wait3A_687 = tpu.memref_squeeze %dma_wait3A_686 : memref<1x1024x32xf32, #tpu.memory_space<vmem>> -> memref<1024x32xf32, #tpu.memory_space<vmem>>
      %dma_wait3A_688 = arith.constant 0 : i32
      %dma_wait3A_689 = tpu.memref_slice %arg4[%add3A_669, %dma_wait3A_688] : memref<819200x32xf32, #tpu.memory_space<hbm>> -> memref<1024x32xf32, #tpu.memory_space<hbm>>
      %dma_wait3A_690 = arith.constant 0 : i32
      %dma_wait3A_691 = tpu.memref_slice %arg4[%add3A_669, %dma_wait3A_690] : memref<819200x32xf32, #tpu.memory_space<hbm>> -> memref<1024x32xf32, #tpu.memory_space<hbm>>
      %dma_wait3A_692 = arith.constant 0 : i32
      %dma_wait3A_693 = arith.constant 0 : i32
      %dma_wait3A_694 = tpu.memref_slice %arg6[%dma_wait3A_683, %dma_wait3A_692, %dma_wait3A_693] : memref<2x1024x32xf32, #tpu.memory_space<vmem>> -> memref<1x1024x32xf32, #tpu.memory_space<vmem>>
      %dma_wait3A_695 = tpu.memref_squeeze %dma_wait3A_694 : memref<1x1024x32xf32, #tpu.memory_space<vmem>> -> memref<1024x32xf32, #tpu.memory_space<vmem>>
      tpu.wait_dma2 semaphore(%arg9 : memref<!tpu.dma_semaphore, #tpu.memory_space<semaphore_mem>>) src(%dma_wait3A_695 : memref<1024x32xf32, #tpu.memory_space<vmem>>) dst(%dma_wait3A_691 : memref<1024x32xf32, #tpu.memory_space<hbm>>)
    }
    %scan3A_105 = arith.constant 12 : i32
    %dma_wait3A = arith.constant 0 : i32
    %dma_wait3A_106 = arith.constant 0 : i32
    %dma_wait3A_107 = arith.constant 0 : i32
    %dma_wait3A_108 = arith.constant 0 : i32
    %dma_wait3A_109 = tpu.memref_slice %arg6[%dma_wait3A_106, %dma_wait3A_107, %dma_wait3A_108] : memref<2x1024x32xf32, #tpu.memory_space<vmem>> -> memref<1x128x32xf32, #tpu.memory_space<vmem>>
    %dma_wait3A_110 = tpu.memref_squeeze %dma_wait3A_109 : memref<1x128x32xf32, #tpu.memory_space<vmem>> -> memref<128x32xf32, #tpu.memory_space<vmem>>
    %dma_wait3A_111 = arith.constant 0 : i32
    %dma_wait3A_112 = tpu.memref_slice %arg5[%dma_wait3A, %dma_wait3A_111] : memref<2x1024xi32, #tpu.memory_space<vmem>> -> memref<1x128xi32, #tpu.memory_space<vmem>>
    %dma_wait3A_113 = tpu.memref_squeeze %dma_wait3A_112 : memref<1x128xi32, #tpu.memory_space<vmem>> -> memref<128xi32, #tpu.memory_space<vmem>>
    %dma_wait3A_114 = arith.constant 0 : i32
    %dma_wait3A_115 = arith.constant 0 : i32
    %dma_wait3A_116 = tpu.memref_slice %arg3[%dma_wait3A_114, %dma_wait3A_115] : memref<1000000x32xf32, #tpu.memory_space<hbm>> -> memref<1000000x32xf32, #tpu.memory_space<hbm>>
    tpu.wait_indirect_dma semaphore(%arg7 : memref<!tpu.dma_semaphore, #tpu.memory_space<semaphore_mem>>) src(%dma_wait3A_116 : memref<1000000x32xf32, #tpu.memory_space<hbm>>) dst(%dma_wait3A_110 : memref<128x32xf32, #tpu.memory_space<vmem>>)
    %dma_wait3A_117 = arith.constant 0 : i32
    %dma_wait3A_118 = arith.constant 0 : i32
    %dma_wait3A_119 = arith.constant 128 : i32
    %dma_wait3A_120 = arith.constant 0 : i32
    %dma_wait3A_121 = tpu.memref_slice %arg6[%dma_wait3A_118, %dma_wait3A_119, %dma_wait3A_120] : memref<2x1024x32xf32, #tpu.memory_space<vmem>> -> memref<1x128x32xf32, #tpu.memory_space<vmem>>
    %dma_wait3A_122 = tpu.memref_squeeze %dma_wait3A_121 : memref<1x128x32xf32, #tpu.memory_space<vmem>> -> memref<128x32xf32, #tpu.memory_space<vmem>>
    %dma_wait3A_123 = arith.constant 128 : i32
    %dma_wait3A_124 = tpu.memref_slice %arg5[%dma_wait3A_117, %dma_wait3A_123] : memref<2x1024xi32, #tpu.memory_space<vmem>> -> memref<1x128xi32, #tpu.memory_space<vmem>>
    %dma_wait3A_125 = tpu.memref_squeeze %dma_wait3A_124 : memref<1x128xi32, #tpu.memory_space<vmem>> -> memref<128xi32, #tpu.memory_space<vmem>>
    %dma_wait3A_126 = arith.constant 0 : i32
    %dma_wait3A_127 = arith.constant 0 : i32
    %dma_wait3A_128 = tpu.memref_slice %arg3[%dma_wait3A_126, %dma_wait3A_127] : memref<1000000x32xf32, #tpu.memory_space<hbm>> -> memref<1000000x32xf32, #tpu.memory_space<hbm>>
    tpu.wait_indirect_dma semaphore(%arg7 : memref<!tpu.dma_semaphore, #tpu.memory_space<semaphore_mem>>) src(%dma_wait3A_128 : memref<1000000x32xf32, #tpu.memory_space<hbm>>) dst(%dma_wait3A_122 : memref<128x32xf32, #tpu.memory_space<vmem>>)
    %dma_wait3A_129 = arith.constant 0 : i32
    %dma_wait3A_130 = arith.constant 0 : i32
    %dma_wait3A_131 = arith.constant 256 : i32
    %dma_wait3A_132 = arith.constant 0 : i32
    %dma_wait3A_133 = tpu.memref_slice %arg6[%dma_wait3A_130, %dma_wait3A_131, %dma_wait3A_132] : memref<2x1024x32xf32, #tpu.memory_space<vmem>> -> memref<1x128x32xf32, #tpu.memory_space<vmem>>
    %dma_wait3A_134 = tpu.memref_squeeze %dma_wait3A_133 : memref<1x128x32xf32, #tpu.memory_space<vmem>> -> memref<128x32xf32, #tpu.memory_space<vmem>>
    %dma_wait3A_135 = arith.constant 256 : i32
    %dma_wait3A_136 = tpu.memref_slice %arg5[%dma_wait3A_129, %dma_wait3A_135] : memref<2x1024xi32, #tpu.memory_space<vmem>> -> memref<1x128xi32, #tpu.memory_space<vmem>>
    %dma_wait3A_137 = tpu.memref_squeeze %dma_wait3A_136 : memref<1x128xi32, #tpu.memory_space<vmem>> -> memref<128xi32, #tpu.memory_space<vmem>>
    %dma_wait3A_138 = arith.constant 0 : i32
    %dma_wait3A_139 = arith.constant 0 : i32
    %dma_wait3A_140 = tpu.memref_slice %arg3[%dma_wait3A_138, %dma_wait3A_139] : memref<1000000x32xf32, #tpu.memory_space<hbm>> -> memref<1000000x32xf32, #tpu.memory_space<hbm>>
    tpu.wait_indirect_dma semaphore(%arg7 : memref<!tpu.dma_semaphore, #tpu.memory_space<semaphore_mem>>) src(%dma_wait3A_140 : memref<1000000x32xf32, #tpu.memory_space<hbm>>) dst(%dma_wait3A_134 : memref<128x32xf32, #tpu.memory_space<vmem>>)
    %dma_wait3A_141 = arith.constant 0 : i32
    %dma_wait3A_142 = arith.constant 0 : i32
    %dma_wait3A_143 = arith.constant 384 : i32
    %dma_wait3A_144 = arith.constant 0 : i32
    %dma_wait3A_145 = tpu.memref_slice %arg6[%dma_wait3A_142, %dma_wait3A_143, %dma_wait3A_144] : memref<2x1024x32xf32, #tpu.memory_space<vmem>> -> memref<1x128x32xf32, #tpu.memory_space<vmem>>
    %dma_wait3A_146 = tpu.memref_squeeze %dma_wait3A_145 : memref<1x128x32xf32, #tpu.memory_space<vmem>> -> memref<128x32xf32, #tpu.memory_space<vmem>>
    %dma_wait3A_147 = arith.constant 384 : i32
    %dma_wait3A_148 = tpu.memref_slice %arg5[%dma_wait3A_141, %dma_wait3A_147] : memref<2x1024xi32, #tpu.memory_space<vmem>> -> memref<1x128xi32, #tpu.memory_space<vmem>>
    %dma_wait3A_149 = tpu.memref_squeeze %dma_wait3A_148 : memref<1x128xi32, #tpu.memory_space<vmem>> -> memref<128xi32, #tpu.memory_space<vmem>>
    %dma_wait3A_150 = arith.constant 0 : i32
    %dma_wait3A_151 = arith.constant 0 : i32
    %dma_wait3A_152 = tpu.memref_slice %arg3[%dma_wait3A_150, %dma_wait3A_151] : memref<1000000x32xf32, #tpu.memory_space<hbm>> -> memref<1000000x32xf32, #tpu.memory_space<hbm>>
    tpu.wait_indirect_dma semaphore(%arg7 : memref<!tpu.dma_semaphore, #tpu.memory_space<semaphore_mem>>) src(%dma_wait3A_152 : memref<1000000x32xf32, #tpu.memory_space<hbm>>) dst(%dma_wait3A_146 : memref<128x32xf32, #tpu.memory_space<vmem>>)
    %dma_wait3A_153 = arith.constant 0 : i32
    %dma_wait3A_154 = arith.constant 0 : i32
    %dma_wait3A_155 = arith.constant 512 : i32
    %dma_wait3A_156 = arith.constant 0 : i32
    %dma_wait3A_157 = tpu.memref_slice %arg6[%dma_wait3A_154, %dma_wait3A_155, %dma_wait3A_156] : memref<2x1024x32xf32, #tpu.memory_space<vmem>> -> memref<1x128x32xf32, #tpu.memory_space<vmem>>
    %dma_wait3A_158 = tpu.memref_squeeze %dma_wait3A_157 : memref<1x128x32xf32, #tpu.memory_space<vmem>> -> memref<128x32xf32, #tpu.memory_space<vmem>>
    %dma_wait3A_159 = arith.constant 512 : i32
    %dma_wait3A_160 = tpu.memref_slice %arg5[%dma_wait3A_153, %dma_wait3A_159] : memref<2x1024xi32, #tpu.memory_space<vmem>> -> memref<1x128xi32, #tpu.memory_space<vmem>>
    %dma_wait3A_161 = tpu.memref_squeeze %dma_wait3A_160 : memref<1x128xi32, #tpu.memory_space<vmem>> -> memref<128xi32, #tpu.memory_space<vmem>>
    %dma_wait3A_162 = arith.constant 0 : i32
    %dma_wait3A_163 = arith.constant 0 : i32
    %dma_wait3A_164 = tpu.memref_slice %arg3[%dma_wait3A_162, %dma_wait3A_163] : memref<1000000x32xf32, #tpu.memory_space<hbm>> -> memref<1000000x32xf32, #tpu.memory_space<hbm>>
    tpu.wait_indirect_dma semaphore(%arg7 : memref<!tpu.dma_semaphore, #tpu.memory_space<semaphore_mem>>) src(%dma_wait3A_164 : memref<1000000x32xf32, #tpu.memory_space<hbm>>) dst(%dma_wait3A_158 : memref<128x32xf32, #tpu.memory_space<vmem>>)
    %dma_wait3A_165 = arith.constant 0 : i32
    %dma_wait3A_166 = arith.constant 0 : i32
    %dma_wait3A_167 = arith.constant 640 : i32
    %dma_wait3A_168 = arith.constant 0 : i32
    %dma_wait3A_169 = tpu.memref_slice %arg6[%dma_wait3A_166, %dma_wait3A_167, %dma_wait3A_168] : memref<2x1024x32xf32, #tpu.memory_space<vmem>> -> memref<1x128x32xf32, #tpu.memory_space<vmem>>
    %dma_wait3A_170 = tpu.memref_squeeze %dma_wait3A_169 : memref<1x128x32xf32, #tpu.memory_space<vmem>> -> memref<128x32xf32, #tpu.memory_space<vmem>>
    %dma_wait3A_171 = arith.constant 640 : i32
    %dma_wait3A_172 = tpu.memref_slice %arg5[%dma_wait3A_165, %dma_wait3A_171] : memref<2x1024xi32, #tpu.memory_space<vmem>> -> memref<1x128xi32, #tpu.memory_space<vmem>>
    %dma_wait3A_173 = tpu.memref_squeeze %dma_wait3A_172 : memref<1x128xi32, #tpu.memory_space<vmem>> -> memref<128xi32, #tpu.memory_space<vmem>>
    %dma_wait3A_174 = arith.constant 0 : i32
    %dma_wait3A_175 = arith.constant 0 : i32
    %dma_wait3A_176 = tpu.memref_slice %arg3[%dma_wait3A_174, %dma_wait3A_175] : memref<1000000x32xf32, #tpu.memory_space<hbm>> -> memref<1000000x32xf32, #tpu.memory_space<hbm>>
    tpu.wait_indirect_dma semaphore(%arg7 : memref<!tpu.dma_semaphore, #tpu.memory_space<semaphore_mem>>) src(%dma_wait3A_176 : memref<1000000x32xf32, #tpu.memory_space<hbm>>) dst(%dma_wait3A_170 : memref<128x32xf32, #tpu.memory_space<vmem>>)
    %dma_wait3A_177 = arith.constant 0 : i32
    %dma_wait3A_178 = arith.constant 0 : i32
    %dma_wait3A_179 = arith.constant 768 : i32
    %dma_wait3A_180 = arith.constant 0 : i32
    %dma_wait3A_181 = tpu.memref_slice %arg6[%dma_wait3A_178, %dma_wait3A_179, %dma_wait3A_180] : memref<2x1024x32xf32, #tpu.memory_space<vmem>> -> memref<1x128x32xf32, #tpu.memory_space<vmem>>
    %dma_wait3A_182 = tpu.memref_squeeze %dma_wait3A_181 : memref<1x128x32xf32, #tpu.memory_space<vmem>> -> memref<128x32xf32, #tpu.memory_space<vmem>>
    %dma_wait3A_183 = arith.constant 768 : i32
    %dma_wait3A_184 = tpu.memref_slice %arg5[%dma_wait3A_177, %dma_wait3A_183] : memref<2x1024xi32, #tpu.memory_space<vmem>> -> memref<1x128xi32, #tpu.memory_space<vmem>>
    %dma_wait3A_185 = tpu.memref_squeeze %dma_wait3A_184 : memref<1x128xi32, #tpu.memory_space<vmem>> -> memref<128xi32, #tpu.memory_space<vmem>>
    %dma_wait3A_186 = arith.constant 0 : i32
    %dma_wait3A_187 = arith.constant 0 : i32
    %dma_wait3A_188 = tpu.memref_slice %arg3[%dma_wait3A_186, %dma_wait3A_187] : memref<1000000x32xf32, #tpu.memory_space<hbm>> -> memref<1000000x32xf32, #tpu.memory_space<hbm>>
    tpu.wait_indirect_dma semaphore(%arg7 : memref<!tpu.dma_semaphore, #tpu.memory_space<semaphore_mem>>) src(%dma_wait3A_188 : memref<1000000x32xf32, #tpu.memory_space<hbm>>) dst(%dma_wait3A_182 : memref<128x32xf32, #tpu.memory_space<vmem>>)
    %dma_wait3A_189 = arith.constant 0 : i32
    %dma_wait3A_190 = arith.constant 0 : i32
    %dma_wait3A_191 = arith.constant 896 : i32
    %dma_wait3A_192 = arith.constant 0 : i32
    %dma_wait3A_193 = tpu.memref_slice %arg6[%dma_wait3A_190, %dma_wait3A_191, %dma_wait3A_192] : memref<2x1024x32xf32, #tpu.memory_space<vmem>> -> memref<1x128x32xf32, #tpu.memory_space<vmem>>
    %dma_wait3A_194 = tpu.memref_squeeze %dma_wait3A_193 : memref<1x128x32xf32, #tpu.memory_space<vmem>> -> memref<128x32xf32, #tpu.memory_space<vmem>>
    %dma_wait3A_195 = arith.constant 896 : i32
    %dma_wait3A_196 = tpu.memref_slice %arg5[%dma_wait3A_189, %dma_wait3A_195] : memref<2x1024xi32, #tpu.memory_space<vmem>> -> memref<1x128xi32, #tpu.memory_space<vmem>>
    %dma_wait3A_197 = tpu.memref_squeeze %dma_wait3A_196 : memref<1x128xi32, #tpu.memory_space<vmem>> -> memref<128xi32, #tpu.memory_space<vmem>>
    %dma_wait3A_198 = arith.constant 0 : i32
    %dma_wait3A_199 = arith.constant 0 : i32
    %dma_wait3A_200 = tpu.memref_slice %arg3[%dma_wait3A_198, %dma_wait3A_199] : memref<1000000x32xf32, #tpu.memory_space<hbm>> -> memref<1000000x32xf32, #tpu.memory_space<hbm>>
    tpu.wait_indirect_dma semaphore(%arg7 : memref<!tpu.dma_semaphore, #tpu.memory_space<semaphore_mem>>) src(%dma_wait3A_200 : memref<1000000x32xf32, #tpu.memory_space<hbm>>) dst(%dma_wait3A_194 : memref<128x32xf32, #tpu.memory_space<vmem>>)
    %add3A_201 = arith.constant 24576 : i32
    %add3A_202 = arith.addi %mul3A_4, %add3A_201 : i32
    %dma_start3A_203 = arith.constant 0 : i32
    %dma_start3A_204 = arith.constant 0 : i32
    %dma_start3A_205 = arith.constant 0 : i32
    %dma_start3A_206 = tpu.memref_slice %arg6[%dma_start3A_203, %dma_start3A_204, %dma_start3A_205] : memref<2x1024x32xf32, #tpu.memory_space<vmem>> -> memref<1x1024x32xf32, #tpu.memory_space<vmem>>
    %dma_start3A_207 = tpu.memref_squeeze %dma_start3A_206 : memref<1x1024x32xf32, #tpu.memory_space<vmem>> -> memref<1024x32xf32, #tpu.memory_space<vmem>>
    %dma_start3A_208 = arith.constant 0 : i32
    %dma_start3A_209 = tpu.memref_slice %arg4[%add3A_202, %dma_start3A_208] : memref<819200x32xf32, #tpu.memory_space<hbm>> -> memref<1024x32xf32, #tpu.memory_space<hbm>>
    %dma_start3A_210 = arith.constant 0 : i32
    %dma_start3A_211 = tpu.memref_slice %arg4[%add3A_202, %dma_start3A_210] : memref<819200x32xf32, #tpu.memory_space<hbm>> -> memref<1024x32xf32, #tpu.memory_space<hbm>>
    %dma_start3A_212 = arith.constant 0 : i32
    %dma_start3A_213 = arith.constant 0 : i32
    %dma_start3A_214 = tpu.memref_slice %arg6[%dma_start3A_203, %dma_start3A_212, %dma_start3A_213] : memref<2x1024x32xf32, #tpu.memory_space<vmem>> -> memref<1x1024x32xf32, #tpu.memory_space<vmem>>
    %dma_start3A_215 = tpu.memref_squeeze %dma_start3A_214 : memref<1x1024x32xf32, #tpu.memory_space<vmem>> -> memref<1024x32xf32, #tpu.memory_space<vmem>>
    tpu.enqueue_dma source(%dma_start3A_215 : memref<1024x32xf32, #tpu.memory_space<vmem>>) target(%dma_start3A_211 : memref<1024x32xf32, #tpu.memory_space<hbm>>) target_semaphore(%arg9 : memref<!tpu.dma_semaphore, #tpu.memory_space<semaphore_mem>>)
    %dma_wait3A_216 = arith.constant 0 : i32
    %dma_wait3A_217 = arith.constant 0 : i32
    %dma_wait3A_218 = arith.constant 0 : i32
    %dma_wait3A_219 = tpu.memref_slice %arg6[%dma_wait3A_216, %dma_wait3A_217, %dma_wait3A_218] : memref<2x1024x32xf32, #tpu.memory_space<vmem>> -> memref<1x1024x32xf32, #tpu.memory_space<vmem>>
    %dma_wait3A_220 = tpu.memref_squeeze %dma_wait3A_219 : memref<1x1024x32xf32, #tpu.memory_space<vmem>> -> memref<1024x32xf32, #tpu.memory_space<vmem>>
    %dma_wait3A_221 = arith.constant 0 : i32
    %dma_wait3A_222 = tpu.memref_slice %arg4[%add3A_202, %dma_wait3A_221] : memref<819200x32xf32, #tpu.memory_space<hbm>> -> memref<1024x32xf32, #tpu.memory_space<hbm>>
    %dma_wait3A_223 = arith.constant 0 : i32
    %dma_wait3A_224 = tpu.memref_slice %arg4[%add3A_202, %dma_wait3A_223] : memref<819200x32xf32, #tpu.memory_space<hbm>> -> memref<1024x32xf32, #tpu.memory_space<hbm>>
    %dma_wait3A_225 = arith.constant 0 : i32
    %dma_wait3A_226 = arith.constant 0 : i32
    %dma_wait3A_227 = tpu.memref_slice %arg6[%dma_wait3A_216, %dma_wait3A_225, %dma_wait3A_226] : memref<2x1024x32xf32, #tpu.memory_space<vmem>> -> memref<1x1024x32xf32, #tpu.memory_space<vmem>>
    %dma_wait3A_228 = tpu.memref_squeeze %dma_wait3A_227 : memref<1x1024x32xf32, #tpu.memory_space<vmem>> -> memref<1024x32xf32, #tpu.memory_space<vmem>>
    tpu.wait_dma2 semaphore(%arg9 : memref<!tpu.dma_semaphore, #tpu.memory_space<semaphore_mem>>) src(%dma_wait3A_228 : memref<1024x32xf32, #tpu.memory_space<vmem>>) dst(%dma_wait3A_224 : memref<1024x32xf32, #tpu.memory_space<hbm>>)
    return
  }
}

</mosaic_0001>

<sc_bundles>
// kernel: kernel.3.cloned.1.call-start
scs
__scs_entry_jumppad:
0x0: {  	(pc) =	sbr.rel $0x88, $3  }
0x1: {  	(tag) =	ssettag $0x0;
	lr =	simm.s32 $0x1  }
0x2: {  	[smem:$0x3F9F] =	sst lr;
	_ =	strace $0xD0000000  }
0x3: {  	_ = 	snop  }
0x4: {  	_ = 	snop  }
0x5: {  	_ = 	snop  }
0x6: {  	_ = 	snop  }
0x7: {  	_ = 	snop  }
__scs_overlays_trampoline_lowered:
0x8: {  	[smem:$0x3FAE] =	sst s0  }
0x9: {  	[smem:$0x3FAF] =	sst s1  }
0xa: {  	[smem:$0x3FB0] =	sst s2  }
0xb: {  	[smem:$0x3FB1] =	sst s3  }
0xc: {  	[smem:$0x3FB2] =	sst s4  }
0xd: {  	[smem:$0x3FB3] =	sst s5  }
0xe: {  	[smem:$0x3FB4] =	sst s6  }
0xf: {  	[smem:$0x3FB5] =	sst s7  }
0x10: {  	[smem:$0x3FB6] =	sst s8  }
0x11: {  	[smem:$0x3FB7] =	sst s9;
	s0 =	simm.s32 @!p0 $0x0  }
0x12: {  	s1 =	sld [smem:$0x3F9D];
	s0 =	simm.s32 @p0 $0x1  }
0x13: {  	[smem:$0x3FB8] =	sst s0;
	s0 =	simm.s32 @!p1 $0x0  }
0x14: {  	s2 =	sld [smem:$0x3F9C];
	s0 =	simm.s32 @p1 $0x1  }
0x15: {  	[smem:$0x3FB9] =	sst s0;
	s0 =	simm.s32 @!p2 $0x0  }
0x16: {  	s3 =	sld [smem:$0x3FDB];
	s0 =	simm.s32 @p2 $0x1  }
0x17: {  	s4 =	simm.s32 $0x1BF5;
	[smem:$0x3FBB] =	sst s0  }
0x18: {  	s0 =	sld [smem:$0x3F9E];
	_ =	swait.ge [sflag:s4], $0x0  }
0x19: {  	s7 =	sld [smem:$0x3F9F]  }
0x1a: {  	s8 =	sadd.s32 $0xFFFFE003, lr  }
0x1b: {  	s9 =	sadd.s32 $0xFFFFFEF7, lr;
	s5 =	simm.s32 $0xFFFFFFFF;
	p2 =	slt.u32 s8, $0xFFFFF086  }
0x1c: {  	p1 =	slt.u32 s9, $0xF7A;
	s5 =	simm.s32 @!p2 $0x0  }
0x1d: {  	s5 =	simm.s32 @p1 $0x1;
	p0 =	seq.s32 s7, s2  }
0x1e: {  	s7 =	smul.u32 @!p0 $0xF7A, s2;
	p2 =	seq.s32 @!p0 s5, $0x0  }
0x1f: {  	s9 =	smul.u32 $0xF7A, s1;
	s8 =	simm.s32 @!p0 $0x1BF5;
	p2 =	por !p2, p0  }
0x20: {  	[sflag:s8] =	ssyncset.s32 @!p0 $0xFFFFF086;
	s6 =	sadd.s32 @!p0 s3, s7;
	s7 =	simm.s32 @!p0 $0x108  }
0x21: {  	s3 =	sadd.s32 s3, s9;
	s6 =	sadd.s32 @!p0 $0x88, s6;
	s7 =	simm.s32 @p2 $0x1082  }
0x22: {  	[simem:s7], [sflag:s8] =	dma.local @!p0 [hbm:s6], $0xF7A  }
0x23: {  	s9 =	sor.u32 $0xD0000000, s2;
	s6 =	simm.s32 $0x108;
	_ =	swait.ge @!p0 [sflag:s8], $0x0  }
0x24: {  	s3 =	sadd.s32 $0x88, s3;
	s6 =	simm.s32 @!p1 $0x1082;
	[sflag:s4] =	ssyncset.s32 $0xFFFFF086  }
0x25: {  	[simem:s6], [sflag:s4] =	dma.local [hbm:s3], $0xF7A  }
0x26: {  	[smem:$0x3F9F] =	sst s1;
	(tag) =	ssettag s2;
	_ =	strace s9  }
0x27: {  	s1 =	sld [smem:$0x3FAF]  }
0x28: {  	s2 =	sld [smem:$0x3FB0]  }
0x29: {  	s4 =	sld [smem:$0x3FB2]  }
0x2a: {  	p0 =	seq.s32 s5, $0x0;
	s5 =	sld [smem:$0x3FB3]  }
0x2b: {  	s6 =	sld [smem:$0x3FB4]  }
0x2c: {  	s7 =	sld [smem:$0x3FB5]  }
0x2d: {  	s3 =	simm.s32 $0x108;
	s8 =	sld [smem:$0x3FB6]  }
0x2e: {  	s3 =	simm.s32 @!p0 $0x1082;
	s9 =	sld [smem:$0x3FB7]  }
0x2f: {  	lr =	sadd.s32 s0, s3;
	s0 =	sld [smem:$0x3FAE]  }
0x30: {  	s3 =	sld [smem:$0x3FB1]  }
0x31: {  	[smem:$0x3FBA] =	sst s10  }
0x32: {  	s10 =	sld [smem:$0x3FB8];
	_ =	sdelay $0x3  }
0x33: {  	p0 =	seq.s32 s10, $0x1;
	s10 =	sld [smem:$0x3FBA];
	_ =	sdelay $0x3  }
0x34: {  	[smem:$0x3FBA] =	sst s10  }
0x35: {  	s10 =	sld [smem:$0x3FB9];
	_ =	sdelay $0x3  }
0x36: {  	p1 =	seq.s32 s10, $0x1;
	s10 =	sld [smem:$0x3FBA];
	_ =	sdelay $0x3  }
0x37: {  	[smem:$0x3FBA] =	sst s10  }
0x38: {  	s10 =	sld [smem:$0x3FBB]  }
0x39: {  	_ = 	snop;
	(pc) =	sbr.ind lr, $3  }
0x3a: {  	_ = 	snop  }
0x3b: {  	_ = 	snop  }
0x3c: {  	p2 =	seq.s32 s10, $0x1;
	s10 =	sld [smem:$0x3FBA]  }
0x3d: {  	_ =	shalt  }
0x3e: {  	_ =	shalt  }
0x3f: {  	_ =	shalt  }
0x40: {  	_ =	shalt  }
0x41: {  	_ =	shalt  }
0x42: {  	_ =	shalt  }
0x43: {  	_ =	shalt  }
0x44: {  	_ =	shalt  }
0x45: {  	_ =	shalt  }
0x46: {  	_ =	shalt  }
0x47: {  	_ =	shalt  }
0x48: {  	_ =	shalt  }
0x49: {  	_ =	shalt  }
0x4a: {  	_ =	shalt  }
0x4b: {  	_ =	shalt  }
0x4c: {  	_ =	shalt  }
0x4d: {  	_ =	shalt  }
0x4e: {  	_ =	shalt  }
0x4f: {  	_ =	shalt  }
0x50: {  	_ =	shalt  }
0x51: {  	_ =	shalt  }
0x52: {  	_ =	shalt  }
0x53: {  	_ =	shalt  }
0x54: {  	_ =	shalt  }
0x55: {  	_ =	shalt  }
0x56: {  	_ =	shalt  }
0x57: {  	_ =	shalt  }
0x58: {  	_ =	shalt  }
0x59: {  	_ =	shalt  }
0x5a: {  	_ =	shalt  }
0x5b: {  	_ =	shalt  }
0x5c: {  	_ =	shalt  }
0x5d: {  	_ =	shalt  }
0x5e: {  	_ =	shalt  }
0x5f: {  	_ =	shalt  }
0x60: {  	_ =	shalt  }
0x61: {  	_ =	shalt  }
0x62: {  	_ =	shalt  }
0x63: {  	_ =	shalt  }
0x64: {  	_ =	shalt  }
0x65: {  	_ =	shalt  }
0x66: {  	_ =	shalt  }
0x67: {  	_ =	shalt  }
0x68: {  	_ =	shalt  }
0x69: {  	_ =	shalt  }
0x6a: {  	_ =	shalt  }
0x6b: {  	_ =	shalt  }
0x6c: {  	_ =	shalt  }
0x6d: {  	_ =	shalt  }
0x6e: {  	_ =	shalt  }
0x6f: {  	_ =	shalt  }
0x70: {  	_ =	shalt  }
0x71: {  	_ =	shalt  }
0x72: {  	_ =	shalt  }
0x73: {  	_ =	shalt  }
0x74: {  	_ =	shalt  }
0x75: {  	_ =	shalt  }
0x76: {  	_ =	shalt  }
0x77: {  	_ =	shalt  }
0x78: {  	_ =	shalt  }
0x79: {  	_ =	shalt  }
0x7a: {  	_ =	shalt  }
0x7b: {  	_ =	shalt  }
0x7c: {  	_ =	shalt  }
0x7d: {  	_ =	shalt  }
0x7e: {  	_ =	shalt  }
0x7f: {  	_ =	shalt  }
0x80: {  	_ =	shalt  }
0x81: {  	_ =	shalt  }
0x82: {  	_ =	shalt  }
0x83: {  	_ =	shalt  }
0x84: {  	_ =	shalt  }
0x85: {  	_ =	shalt  }
0x86: {  	_ =	shalt  }
0x87: {  	_ =	shalt  }
.Lfunc_end0:
.L_simem_size_0:
called_computation.1_lowered:
.L_overlay_start_0:
0x88: {  	s2 =	sld [smem:$0x3FD9]  }
0x89: {  	s3 =	sld [smem:$0x3FFE];
	_ =	sdelay $0x1  }
0x8a: {  	s1 =	srdreg.scid  }
0x8b: {  	s0 =	sand.u32 $0x1, s1  }
0x8c: {  	s17 =	sshll.u32 s0, $0xA;
	s2 =	sadd.s32 s3, s2  }
0x8d: {  	s2 =	sadd.s32 s2, s17  }
0x8e: {  	[smem:$0x3FC6] =	sst s2  }
0x8f: {  	_ = 	snop  }
0x90: {  	s2 =	sld [smem:$0x3FD0];
	(tm) =	ssettm $0x1  }
0x91: {  	s18 =	sld [smem:$0x3FFB];
	_ =	sdelay $0x3  }
0x92: {  	_ =	strace s18  }
0x93: {  	s3 =	sld [smem:$0x3FFC];
	_ =	sdelay $0x3  }
0x94: {  	_ =	strace s3  }
0x95: {  	s3 =	sld [smem:$0x3FFD];
	_ =	sdelay $0x3  }
0x96: {  	_ =	strace s3  }
0x97: {  	_ =	strace $0x8FFFFFFF  }
0x98: {  	s19 =	sld [smem:$0x3FDB];
	_ =	sdelay $0x1  }
0x99: {  	s4 =	simm.s32 $_scs_section_size  }
0x9a: {  	s5 =	simm.s32 $_size__tile_overlayer_lowered;
	s6 =	simm.s32 $_tile_overlayer_lowered  }
0x9b: {  	s22 =	simm.s32 $0x1BFF;
	s21 =	sshll.u32 s6, $0x1;
	s3 =	sadd.s32 s4, s19  }
0x9c: {  	s7 =	simm.s32 $0x0;
	s20 =	sshll.u32 s5, $0x1;
	s5 =	sadd.s32 s21, s3  }
0x9d: {  	[timem:s7], [sflag:s22] =	dma.local [hbm:s5], s20  }
0x9e: {  	_ =	swait.ge [sflag:s22], s20  }
0x9f: {  	s4 =	ssub.s32 $0x0, s20;
	[sflag:s22] =	ssyncset.done $0x0  }
0xa0: {  	[sflag:s22] =	ssyncadd.s32 s4;
	_ =	sdelay $0x1  }
0xa1: {  	s23 =	simm.s32 $0x1B8B  }
0xa2: {  	_ =	swait.ge [sflag:s23], $0x1  }
0xa3: {  	[sflag:s23] =	ssyncset.done $0x0  }
0xa4: {  	s25 =	simm.s32 $0x1B8E;
	s24 =	sld [smem:$0x3FFE];
	[sflag:s23] =	ssyncadd.s32 $0xFFFFFFFF  }
0xa5: {  	s26 =	simm.s32 $execute0_lowered;
	[smem:$0x3FD2] =	sst s25  }
0xa6: {  	s5 =	sshll.u32 s26, $0x1;
	_ =	strace $0x80000046;
	[dreg:$0x1] =	wrdreg $0xFFFFFFFF  }
0xa7: {  	s28 =	simm.s32 $_size_execute0_lowered;
	s3 =	sadd.s32 s3, s5;
	[dreg:$0x0] =	wrdreg $0x0  }
0xa8: {  	s5 =	sshll.u32 s28, $0x1;
	[dreg:$0x2] =	wrdreg s3  }
0xa9: {  	[dreg:$0x3] =	wrdreg s5  }
0xaa: {  	[dreg:$0x4] =	wrdreg $0xC0  }
0xab: {  	_ =	task [dreg:s7], $0x5FFFF  }
0xac: {  	[dreg:$0x1] =	wrdreg $0xFFFFFFFF  }
0xad: {  	[dreg:$0x0] =	wrdreg $0x60  }
0xae: {  	[dreg:$0x2] =	wrdreg s24  }
0xaf: {  	[dreg:$0x3] =	wrdreg s2  }
0xb0: {  	[dreg:$0x4] =	wrdreg $0x9  }
0xb1: {  	_ =	task.clear_ibuf [dreg:s7], $0x5FFFF;
	_ =	strace $0x90000046  }
0xb2: {  	s29 =	simm.s32 $0x9;
	_ =	strace $0x80000048  }
0xb3: {  	_ =	swait.ge [sflag:s29], $0x1  }
0xb4: {  	[sflag:s29] =	ssyncadd.s32 $0xFFFFFFFF  }
0xb5: {  	_ =	strace $0x90000048  }
0xb6: {  	_ =	sfence  }
0xb7: {  	s30 =	sld [smem:$0x0];
	_ =	sdelay $0x2  }
0xb8: {  	s31 =	sshll.u32 s1, $0xD;
	s1 =	sshrl.u32 s1, $0x2  }
0xb9: {  	s3 =	sand.u32 $0x4000, s31;
	s1 =	sadd.s32 s1, s30  }
0xba: {  	s0 =	sor.u32 s3, s0;
	s1 =	sshll.u32 s1, $0x11  }
0xbb: {  	s0 =	sor.u32 s1, s0  }
0xbc: {  	s0 =	sadd.s32 $0x8F2B, s0  }
0xbd: {  	[sflag:s0] =	ssyncadd.remote.s32 $0x1  }
0xbe: {  	_ =	sfence.sel $0xFFFF  }
0xbf: {  	[dreg:$0x0] =	wrdreg $0xFFFFFFFF;
	(pc) =	sbr.abs _section_cstart, $3  }
0xc0: {  	[dreg:$0x1] =	wrdreg $0xFFFFFFFF  }
0xc1: {  	_ =	task.clear_ibuf [dreg:s7], $0x2FFFF;
	_ =	strace $0x9FFFFFFF  }
0xc2: {  	(tm) =	ssettm $0x7FFFFFFF  }
0xc3: {  	_ =	shalt  }
tec
execute0_lowered:
.L_overlay_start_1:
0x0: {  	(tag) =	ssettag $0x1  }
0x1: {  	s0 =	srdreg.scid;
	s4 =	rddreg [dreg:$0x0]  }
0x2: {  	s10 =	stileid.u32;
	s5 =	rddreg [dreg:$0x1]  }
0x3: {  	s2 =	simm.s32 $0x0;
	s13 =	simm.s32 $0x480;
	s14 =	simm.s32 $0x9800  }
0x4: {  	s15 =	simm.s32 $0x500;
	s16 =	simm.s32 $0xA800;
	s17 =	simm.s32 $0x580  }
0x5: {  	s18 =	simm.s32 $0xB800;
	s19 =	simm.s32 $0x600;
	s20 =	simm.s32 $0xC800  }
0x6: {  	s21 =	simm.s32 $0x680;
	s22 =	simm.s32 $0xD800;
	s28 =	simm.s32 $0x8800  }
0x7: {  	s29 =	simm.s32 $0x1;
	s30 =	simm.s32 $0x3;
	[smem:$0x7FF] =	sst s2  }
0x8: {  	s31 =	simm.s32 $0x2;
	_ =	strace $0x80000047;
	[dreg:$0x5] =	wrdreg s13  }
0x9: {  	s0 =	sand.u32 $0x1, s0;
	s1 =	sshll.u32 s10, $0x1;
	[dreg:$0x6] =	wrdreg s14  }
0xa: {  	s7 =	smul.u32 $0x190000, s10;
	s3 =	sadd.s32 $0xA00, s4;
	[dreg:$0x7] =	wrdreg s15  }
0xb: {  	s10 =	smul.u32 $0xC800, s10;
	s4 =	sadd.s32 $0xF42E00, s4;
	[dreg:$0x8] =	wrdreg s16  }
0xc: {  	s1 =	sor.u32 s0, s1;
	s8 =	smul.u32 $0xC8000, s0;
	[dreg:$0x9] =	wrdreg s17  }
0xd: {  	s9 =	ssub.s32 $0x2, s0;
	s0 =	smul.u32 $0x6400, s0;
	[dreg:$0xa] =	wrdreg s18  }
0xe: {  	s13 =	simm.s32 $0x100;
	s14 =	simm.s32 $0x2800;
	[dreg:$0xb] =	wrdreg s19  }
0xf: {  	s15 =	simm.s32 $0x180;
	s16 =	simm.s32 $0x3800;
	[dreg:$0xc] =	wrdreg s20  }
0x10: {  	s17 =	simm.s32 $0x200;
	s19 =	simm.s32 $0x4800;
	[dreg:$0xd] =	wrdreg s21  }
0x11: {  	s20 =	simm.s32 $0x280;
	[dreg:$0xe] =	wrdreg s22;
	s21 =	simm.s32 $0x5800  }
0x12: {  	s22 =	simm.s32 $0x300;
	s6 =	smul.u32 $0x6400, s1;
	s11 =	sshrl.u32 s9, $0x1  }
0x13: {  	s1 =	smul.u32 $0xC8000, s1;
	s9 =	ssub.s32 s9, s11;
	s23 =	sadd.s32 s8, s7  }
0x14: {  	s0 =	sadd.s32 s0, s10;
	s7 =	simm.s32 $0x1800;
	s6 =	sshrl.u32 s6, $0x3  }
0x15: {  	s1 =	sshrl.u32 s1, $0x3;
	s24 =	sadd.s32 $0x400, s0;
	s10 =	smax.u32 s9, $0x1  }
0x16: {  	s0 =	sadd.s32 $0x800, s0;
	s6 =	sadd.s32 s3, s6;
	[dreg:$0x15] =	wrdreg s10  }
0x17: {  	s1 =	sadd.s32 s5, s1;
	s26 =	sshll.u32 s24, $0x2;
	[dreg:$0x16] =	wrdreg s0  }
0x18: {  	s12 =	sshrl.u32 s24, $0x3;
	s24 =	simm.s32 $0xE800;
	[dreg:$0x13] =	wrdreg s6  }
0x19: {  	s10 =	simm.s32 $0x4;
	s1 =	sadd.s32 $0x18000, s1;
	[dreg:$0x10] =	wrdreg s24  }
0x1a: {  	s6 =	sshrl.u32 s23, $0x3;
	s11 =	sadd.s32 s26, s5;
	[dreg:$0x14] =	wrdreg s1  }
0x1b: {  	s0 =	sadd.s32 s12, s3;
	s12 =	simm.s32 $0x800;
	[dreg:$0x4] =	wrdreg s11  }
0x1c: {  	s23 =	simm.s32 $0x700;
	s26 =	simm.s32 $0xF800;
	[dreg:$0x17] =	wrdreg s0  }
0x1d: {  	s24 =	simm.s32 $0x380;
	s25 =	sadd.s32 s6, s5;
	[dreg:$0xf] =	wrdreg s23  }
0x1e: {  	s11 =	simm.s32 $0x80;
	s23 =	simm.s32 $0x6800;
	[dreg:$0x12] =	wrdreg s26  }
0x1f: {  	s26 =	simm.s32 $0x400;
	[dreg:$0x3] =	wrdreg s25;
	s25 =	simm.s32 $0x780  }
0x20: {  	s1 =	simm.s32 $0x0;
	[dreg:$0x11] =	wrdreg s25;
	s25 =	simm.s32 $0x7800  }
.LBB2_1:
0x21: {  	[dreg:$0x18] =	wrdreg s1  }
0x22: {  	s0 =	rddreg [dreg:$0x13]  }
0x23: {  	[tilespmem:s2], [sflag:$0x4] =	stream.linear.gather [hbm4b:s0+s2], $0x400, $0x38;
	[tilespmem:$0x10800] =	vst v63  }
0x24: {  	_ =	swait.ge [sflag:s10], $0x400  }
0x25: {  	[sflag:s10] =	ssyncset.done $0x0  }
0x26: {  	[sflag:s10] =	ssyncadd.s32 $0xFFFFFC00  }
0x27: {  	[tilespmem:s12], [sflag:$0x1] =	stream.indirect.gather [hbm4b:s4+s11], $0x20, s2, s11, $0xb8;
	[tilespmem:$0x10800] =	vst v63  }
0x28: {  	_ = 	snop  }
0x29: {  	[tilespmem:s7], [sflag:$0x1] =	stream.indirect.gather [hbm4b:s4+s11], $0x20, s11, s11, $0xb8;
	[tilespmem:$0x10800] =	vst v63  }
0x2a: {  	_ = 	snop  }
0x2b: {  	[tilespmem:s14], [sflag:$0x1] =	stream.indirect.gather [hbm4b:s4+s11], $0x20, s13, s11, $0xb8;
	[tilespmem:$0x10800] =	vst v63  }
0x2c: {  	_ = 	snop  }
0x2d: {  	[tilespmem:s16], [sflag:$0x1] =	stream.indirect.gather [hbm4b:s4+s11], $0x20, s15, s11, $0xb8;
	[tilespmem:$0x10800] =	vst v63  }
0x2e: {  	_ = 	snop  }
0x2f: {  	[tilespmem:s19], [sflag:$0x1] =	stream.indirect.gather [hbm4b:s4+s11], $0x20, s17, s11, $0xb8;
	[tilespmem:$0x10800] =	vst v63  }
0x30: {  	_ = 	snop  }
0x31: {  	[tilespmem:s21], [sflag:$0x1] =	stream.indirect.gather [hbm4b:s4+s11], $0x20, s20, s11, $0xb8;
	[tilespmem:$0x10800] =	vst v63  }
0x32: {  	_ = 	snop  }
0x33: {  	[tilespmem:s23], [sflag:$0x1] =	stream.indirect.gather [hbm4b:s4+s11], $0x20, s22, s11, $0xb8;
	[tilespmem:$0x10800] =	vst v63  }
0x34: {  	_ = 	snop  }
0x35: {  	[tilespmem:s25], [sflag:$0x1] =	stream.indirect.gather [hbm4b:s4+s11], $0x20, s24, s11, $0xb8;
	[tilespmem:$0x10800] =	vst v63  }
0x36: {  	s1 =	rddreg [dreg:$0x17]  }
0x37: {  	[tilespmem:s26], [sflag:$0x4] =	stream.linear.gather [hbm4b:s1+s2], $0x400, $0x38;
	[tilespmem:$0x10800] =	vst v63  }
0x38: {  	_ =	swait.ge [sflag:s10], $0x400  }
0x39: {  	s0 =	rddreg [dreg:$0x12]  }
0x3a: {  	s5 =	rddreg [dreg:$0x7]  }
0x3b: {  	s6 =	rddreg [dreg:$0x5]  }
0x3c: {  	[sflag:s10] =	ssyncset.done $0x0;
	s8 =	rddreg [dreg:$0x6]  }
0x3d: {  	s9 =	rddreg [dreg:$0x8];
	[sflag:s10] =	ssyncadd.s32 $0xFFFFFC00  }
0x3e: {  	[tilespmem:s28], [sflag:$0x2] =	stream.indirect.gather [hbm4b:s4+s11], $0x20, s26, s11, $0xb8;
	[tilespmem:$0x10800] =	vst v63  }
0x3f: {  	s18 =	rddreg [dreg:$0xb]  }
0x40: {  	[tilespmem:s8], [sflag:$0x2] =	stream.indirect.gather [hbm4b:s4+s11], $0x20, s6, s11, $0xb8;
	[tilespmem:$0x10800] =	vst v63  }
0x41: {  	s6 =	rddreg [dreg:$0x9]  }
0x42: {  	s8 =	rddreg [dreg:$0xa]  }
0x43: {  	[tilespmem:s9], [sflag:$0x2] =	stream.indirect.gather [hbm4b:s4+s11], $0x20, s5, s11, $0xb8;
	[tilespmem:$0x10800] =	vst v63  }
0x44: {  	s9 =	rddreg [dreg:$0xc]  }
0x45: {  	[tilespmem:s8], [sflag:$0x2] =	stream.indirect.gather [hbm4b:s4+s11], $0x20, s6, s11, $0xb8;
	[tilespmem:$0x10800] =	vst v63  }
0x46: {  	s6 =	rddreg [dreg:$0xe]  }
0x47: {  	s8 =	rddreg [dreg:$0xd]  }
0x48: {  	[tilespmem:s9], [sflag:$0x2] =	stream.indirect.gather [hbm4b:s4+s11], $0x20, s18, s11, $0xb8;
	[tilespmem:$0x10800] =	vst v63  }
0x49: {  	s9 =	rddreg [dreg:$0x10]  }
0x4a: {  	[tilespmem:s6], [sflag:$0x2] =	stream.indirect.gather [hbm4b:s4+s11], $0x20, s8, s11, $0xb8;
	[tilespmem:$0x10800] =	vst v63  }
0x4b: {  	s18 =	rddreg [dreg:$0xf]  }
0x4c: {  	[tilespmem:s9], [sflag:$0x2] =	stream.indirect.gather [hbm4b:s4+s11], $0x20, s18, s11, $0xb8;
	[tilespmem:$0x10800] =	vst v63  }
0x4d: {  	s8 =	rddreg [dreg:$0x11]  }
0x4e: {  	[tilespmem:s0], [sflag:$0x2] =	stream.indirect.gather [hbm4b:s4+s11], $0x20, s8, s11, $0xb8;
	[tilespmem:$0x10800] =	vst v63  }
0x4f: {  	_ =	swait.ge [sflag:s29], $0x1000  }
0x50: {  	[sflag:s29] =	ssyncset.done $0x0  }
0x51: {  	[sflag:s29] =	ssyncadd.s32 $0xFFFFF000  }
0x52: {  	_ =	swait.ge [sflag:s29], $0x1000  }
0x53: {  	[sflag:s29] =	ssyncset.done $0x0  }
0x54: {  	[sflag:s29] =	ssyncadd.s32 $0xFFFFF000  }
0x55: {  	_ =	swait.ge [sflag:s29], $0x1000  }
0x56: {  	[sflag:s29] =	ssyncset.done $0x0  }
0x57: {  	[sflag:s29] =	ssyncadd.s32 $0xFFFFF000  }
0x58: {  	_ =	swait.ge [sflag:s29], $0x1000  }
0x59: {  	[sflag:s29] =	ssyncset.done $0x0  }
0x5a: {  	[sflag:s29] =	ssyncadd.s32 $0xFFFFF000  }
0x5b: {  	_ =	swait.ge [sflag:s29], $0x1000  }
0x5c: {  	[sflag:s29] =	ssyncset.done $0x0  }
0x5d: {  	[sflag:s29] =	ssyncadd.s32 $0xFFFFF000  }
0x5e: {  	_ =	swait.ge [sflag:s29], $0x1000  }
0x5f: {  	[sflag:s29] =	ssyncset.done $0x0  }
0x60: {  	[sflag:s29] =	ssyncadd.s32 $0xFFFFF000  }
0x61: {  	_ =	swait.ge [sflag:s29], $0x1000  }
0x62: {  	[sflag:s29] =	ssyncset.done $0x0  }
0x63: {  	[sflag:s29] =	ssyncadd.s32 $0xFFFFF000  }
0x64: {  	_ =	swait.ge [sflag:s29], $0x1000  }
0x65: {  	s9 =	rddreg [dreg:$0x3];
	[sflag:s29] =	ssyncset.done $0x0  }
0x66: {  	[sflag:s29] =	ssyncadd.s32 $0xFFFFF000;
	s0 =	sadd.s32 $0x0, s9  }
0x67: {  	[hbm4b:s0+s2] =	stream.linear.scatter [tilespmem:s12], [sflag:$0x3], $0x8000, $0x38;
	[tilespmem:$0x10800] =	vst v63  }
0x68: {  	_ =	swait.ge [sflag:s30], $0x8000  }
0x69: {  	s8 =	rddreg [dreg:$0x16]  }
0x6a: {  	[sflag:s30] =	ssyncset.done $0x0;
	s18 =	sshrl.u32 s8, $0x3  }
0x6b: {  	[sflag:s30] =	ssyncadd.s32 $0xFFFF8000;
	s0 =	sadd.s32 s3, s18  }
0x6c: {  	[tilespmem:s2], [sflag:$0x4] =	stream.linear.gather [hbm4b:s0+s2], $0x400, $0x38;
	[tilespmem:$0x10800] =	vst v63  }
0x6d: {  	_ =	swait.ge [sflag:s10], $0x400  }
0x6e: {  	[sflag:s10] =	ssyncset.done $0x0  }
0x6f: {  	[sflag:s10] =	ssyncadd.s32 $0xFFFFFC00  }
0x70: {  	[tilespmem:s12], [sflag:$0x1] =	stream.indirect.gather [hbm4b:s4+s11], $0x20, s2, s11, $0xb8;
	[tilespmem:$0x10800] =	vst v63  }
0x71: {  	_ = 	snop  }
0x72: {  	[tilespmem:s7], [sflag:$0x1] =	stream.indirect.gather [hbm4b:s4+s11], $0x20, s11, s11, $0xb8;
	[tilespmem:$0x10800] =	vst v63  }
0x73: {  	_ = 	snop  }
0x74: {  	[tilespmem:s14], [sflag:$0x1] =	stream.indirect.gather [hbm4b:s4+s11], $0x20, s13, s11, $0xb8;
	[tilespmem:$0x10800] =	vst v63  }
0x75: {  	_ = 	snop  }
0x76: {  	[tilespmem:s16], [sflag:$0x1] =	stream.indirect.gather [hbm4b:s4+s11], $0x20, s15, s11, $0xb8;
	[tilespmem:$0x10800] =	vst v63  }
0x77: {  	_ = 	snop  }
0x78: {  	[tilespmem:s19], [sflag:$0x1] =	stream.indirect.gather [hbm4b:s4+s11], $0x20, s17, s11, $0xb8;
	[tilespmem:$0x10800] =	vst v63  }
0x79: {  	_ = 	snop  }
0x7a: {  	[tilespmem:s21], [sflag:$0x1] =	stream.indirect.gather [hbm4b:s4+s11], $0x20, s20, s11, $0xb8;
	[tilespmem:$0x10800] =	vst v63  }
0x7b: {  	_ = 	snop  }
0x7c: {  	[tilespmem:s23], [sflag:$0x1] =	stream.indirect.gather [hbm4b:s4+s11], $0x20, s22, s11, $0xb8;
	[tilespmem:$0x10800] =	vst v63  }
0x7d: {  	_ = 	snop  }
0x7e: {  	[tilespmem:s25], [sflag:$0x1] =	stream.indirect.gather [hbm4b:s4+s11], $0x20, s24, s11, $0xb8;
	[tilespmem:$0x10800] =	vst v63  }
0x7f: {  	_ =	swait.ge [sflag:s31], $0x1000  }
0x80: {  	[sflag:s31] =	ssyncset.done $0x0  }
0x81: {  	[sflag:s31] =	ssyncadd.s32 $0xFFFFF000  }
0x82: {  	_ =	swait.ge [sflag:s31], $0x1000  }
0x83: {  	[sflag:s31] =	ssyncset.done $0x0  }
0x84: {  	[sflag:s31] =	ssyncadd.s32 $0xFFFFF000  }
0x85: {  	_ =	swait.ge [sflag:s31], $0x1000  }
0x86: {  	[sflag:s31] =	ssyncset.done $0x0  }
0x87: {  	[sflag:s31] =	ssyncadd.s32 $0xFFFFF000  }
0x88: {  	_ =	swait.ge [sflag:s31], $0x1000  }
0x89: {  	[sflag:s31] =	ssyncset.done $0x0  }
0x8a: {  	[sflag:s31] =	ssyncadd.s32 $0xFFFFF000  }
0x8b: {  	_ =	swait.ge [sflag:s31], $0x1000  }
0x8c: {  	[sflag:s31] =	ssyncset.done $0x0  }
0x8d: {  	[sflag:s31] =	ssyncadd.s32 $0xFFFFF000  }
0x8e: {  	_ =	swait.ge [sflag:s31], $0x1000  }
0x8f: {  	[sflag:s31] =	ssyncset.done $0x0  }
0x90: {  	[sflag:s31] =	ssyncadd.s32 $0xFFFFF000  }
0x91: {  	_ =	swait.ge [sflag:s31], $0x1000  }
0x92: {  	[sflag:s31] =	ssyncset.done $0x0  }
0x93: {  	[sflag:s31] =	ssyncadd.s32 $0xFFFFF000  }
0x94: {  	s5 =	simm.s32 $0x0;
	_ =	swait.ge [sflag:s31], $0x1000  }
0x95: {  	s9 =	smov.u32 s1;
	s0 =	simm.s32 $0x2000;
	s6 =	rddreg [dreg:$0x4]  }
.LBB2_2:
0x96: {  	[sflag:s31] =	ssyncset.done $0x0  }
0x97: {  	s6 =	sadd.s32 s5, s6;
	[sflag:s31] =	ssyncadd.s32 $0xFFFFF000  }
0x98: {  	[hbm4b:s6+s2] =	stream.linear.scatter [tilespmem:s28], [sflag:$0x3], $0x8000, $0x38;
	[tilespmem:$0x10800] =	vst v63  }
0x99: {  	_ =	swait.ge [sflag:s30], $0x8000  }
0x9a: {  	[sflag:s30] =	ssyncset.done $0x0  }
0x9b: {  	s9 =	sadd.s32 $0x100, s9;
	[sflag:s30] =	ssyncadd.s32 $0xFFFF8000  }
0x9c: {  	[tilespmem:s26], [sflag:$0x4] =	stream.linear.gather [hbm4b:s9+s2], $0x400, $0x38;
	[tilespmem:$0x10800] =	vst v63  }
0x9d: {  	_ =	swait.ge [sflag:s10], $0x400  }
0x9e: {  	s7 =	smov.u32 s0;
	s6 =	rddreg [dreg:$0x12]  }
0x9f: {  	s5 =	smov.u32 s7;
	s7 =	rddreg [dreg:$0x10]  }
0xa0: {  	s1 =	rddreg [dreg:$0xe]  }
0xa1: {  	s13 =	rddreg [dreg:$0xc]  }
0xa2: {  	s14 =	rddreg [dreg:$0x9]  }
0xa3: {  	[sflag:s10] =	ssyncset.done $0x0;
	s15 =	rddreg [dreg:$0x7]  }
0xa4: {  	s16 =	rddreg [dreg:$0x5];
	[sflag:s10] =	ssyncadd.s32 $0xFFFFFC00  }
0xa5: {  	[tilespmem:s28], [sflag:$0x2] =	stream.indirect.gather [hbm4b:s4+s11], $0x20, s26, s11, $0xb8;
	[tilespmem:$0x10800] =	vst v63  }
0xa6: {  	s17 =	rddreg [dreg:$0x6]  }
0xa7: {  	[tilespmem:s17], [sflag:$0x2] =	stream.indirect.gather [hbm4b:s4+s11], $0x20, s16, s11, $0xb8;
	[tilespmem:$0x10800] =	vst v63  }
0xa8: {  	s18 =	rddreg [dreg:$0x8]  }
0xa9: {  	[tilespmem:s18], [sflag:$0x2] =	stream.indirect.gather [hbm4b:s4+s11], $0x20, s15, s11, $0xb8;
	[tilespmem:$0x10800] =	vst v63  }
0xaa: {  	s16 =	rddreg [dreg:$0xa]  }
0xab: {  	[tilespmem:s16], [sflag:$0x2] =	stream.indirect.gather [hbm4b:s4+s11], $0x20, s14, s11, $0xb8;
	[tilespmem:$0x10800] =	vst v63  }
0xac: {  	s15 =	rddreg [dreg:$0xb]  }
0xad: {  	[tilespmem:s13], [sflag:$0x2] =	stream.indirect.gather [hbm4b:s4+s11], $0x20, s15, s11, $0xb8;
	[tilespmem:$0x10800] =	vst v63  }
0xae: {  	s18 =	rddreg [dreg:$0xd]  }
0xaf: {  	[tilespmem:s1], [sflag:$0x2] =	stream.indirect.gather [hbm4b:s4+s11], $0x20, s18, s11, $0xb8;
	[tilespmem:$0x10800] =	vst v63  }
0xb0: {  	s13 =	rddreg [dreg:$0xf]  }
0xb1: {  	[tilespmem:s7], [sflag:$0x2] =	stream.indirect.gather [hbm4b:s4+s11], $0x20, s13, s11, $0xb8;
	[tilespmem:$0x10800] =	vst v63  }
0xb2: {  	s18 =	rddreg [dreg:$0x11]  }
0xb3: {  	[tilespmem:s6], [sflag:$0x2] =	stream.indirect.gather [hbm4b:s4+s11], $0x20, s18, s11, $0xb8;
	[tilespmem:$0x10800] =	vst v63  }
0xb4: {  	_ =	swait.ge [sflag:s29], $0x1000  }
0xb5: {  	[sflag:s29] =	ssyncset.done $0x0  }
0xb6: {  	[sflag:s29] =	ssyncadd.s32 $0xFFFFF000  }
0xb7: {  	_ =	swait.ge [sflag:s29], $0x1000  }
0xb8: {  	[sflag:s29] =	ssyncset.done $0x0  }
0xb9: {  	[sflag:s29] =	ssyncadd.s32 $0xFFFFF000  }
0xba: {  	_ =	swait.ge [sflag:s29], $0x1000  }
0xbb: {  	[sflag:s29] =	ssyncset.done $0x0  }
0xbc: {  	[sflag:s29] =	ssyncadd.s32 $0xFFFFF000  }
0xbd: {  	_ =	swait.ge [sflag:s29], $0x1000  }
0xbe: {  	[sflag:s29] =	ssyncset.done $0x0  }
0xbf: {  	[sflag:s29] =	ssyncadd.s32 $0xFFFFF000  }
0xc0: {  	_ =	swait.ge [sflag:s29], $0x1000  }
0xc1: {  	[sflag:s29] =	ssyncset.done $0x0  }
0xc2: {  	[sflag:s29] =	ssyncadd.s32 $0xFFFFF000  }
0xc3: {  	_ =	swait.ge [sflag:s29], $0x1000  }
0xc4: {  	[sflag:s29] =	ssyncset.done $0x0  }
0xc5: {  	[sflag:s29] =	ssyncadd.s32 $0xFFFFF000  }
0xc6: {  	_ =	swait.ge [sflag:s29], $0x1000  }
0xc7: {  	[sflag:s29] =	ssyncset.done $0x0  }
0xc8: {  	[sflag:s29] =	ssyncadd.s32 $0xFFFFF000  }
0xc9: {  	_ =	swait.ge [sflag:s29], $0x1000  }
0xca: {  	s6 =	rddreg [dreg:$0x3];
	[sflag:s29] =	ssyncset.done $0x0  }
0xcb: {  	[sflag:s29] =	ssyncadd.s32 $0xFFFFF000;
	s1 =	sadd.s32 s5, s6  }
0xcc: {  	[hbm4b:s1+s2] =	stream.linear.scatter [tilespmem:s12], [sflag:$0x3], $0x8000, $0x38;
	[tilespmem:$0x10800] =	vst v63  }
0xcd: {  	s8 =	sadd.s32 $0x800, s8;
	_ =	swait.ge [sflag:s30], $0x8000  }
0xce: {  	s18 =	sshrl.u32 s8, $0x3;
	[sflag:s30] =	ssyncset.done $0x0  }
0xcf: {  	s1 =	sadd.s32 s3, s18;
	[sflag:s30] =	ssyncadd.s32 $0xFFFF8000  }
0xd0: {  	[tilespmem:s2], [sflag:$0x4] =	stream.linear.gather [hbm4b:s1+s2], $0x400, $0x38;
	[tilespmem:$0x10800] =	vst v63  }
0xd1: {  	_ =	swait.ge [sflag:s10], $0x400  }
0xd2: {  	[sflag:s10] =	ssyncset.done $0x0  }
0xd3: {  	[sflag:s10] =	ssyncadd.s32 $0xFFFFFC00  }
0xd4: {  	[tilespmem:s12], [sflag:$0x1] =	stream.indirect.gather [hbm4b:s4+s11], $0x20, s2, s11, $0xb8;
	[tilespmem:$0x10800] =	vst v63  }
0xd5: {  	s7 =	simm.s32 $0x1800  }
0xd6: {  	[tilespmem:s7], [sflag:$0x1] =	stream.indirect.gather [hbm4b:s4+s11], $0x20, s11, s11, $0xb8;
	[tilespmem:$0x10800] =	vst v63  }
0xd7: {  	s14 =	simm.s32 $0x2800;
	s13 =	simm.s32 $0x100  }
0xd8: {  	[tilespmem:s14], [sflag:$0x1] =	stream.indirect.gather [hbm4b:s4+s11], $0x20, s13, s11, $0xb8;
	[tilespmem:$0x10800] =	vst v63  }
0xd9: {  	s16 =	simm.s32 $0x3800;
	s15 =	simm.s32 $0x180  }
0xda: {  	[tilespmem:s16], [sflag:$0x1] =	stream.indirect.gather [hbm4b:s4+s11], $0x20, s15, s11, $0xb8;
	[tilespmem:$0x10800] =	vst v63  }
0xdb: {  	s17 =	simm.s32 $0x200  }
0xdc: {  	[tilespmem:s19], [sflag:$0x1] =	stream.indirect.gather [hbm4b:s4+s11], $0x20, s17, s11, $0xb8;
	[tilespmem:$0x10800] =	vst v63  }
0xdd: {  	_ = 	snop  }
0xde: {  	[tilespmem:s21], [sflag:$0x1] =	stream.indirect.gather [hbm4b:s4+s11], $0x20, s20, s11, $0xb8;
	[tilespmem:$0x10800] =	vst v63  }
0xdf: {  	_ = 	snop  }
0xe0: {  	[tilespmem:s23], [sflag:$0x1] =	stream.indirect.gather [hbm4b:s4+s11], $0x20, s22, s11, $0xb8;
	[tilespmem:$0x10800] =	vst v63  }
0xe1: {  	_ = 	snop  }
0xe2: {  	[tilespmem:s25], [sflag:$0x1] =	stream.indirect.gather [hbm4b:s4+s11], $0x20, s24, s11, $0xb8;
	[tilespmem:$0x10800] =	vst v63  }
0xe3: {  	_ =	swait.ge [sflag:s31], $0x1000  }
0xe4: {  	[sflag:s31] =	ssyncset.done $0x0  }
0xe5: {  	[sflag:s31] =	ssyncadd.s32 $0xFFFFF000  }
0xe6: {  	_ =	swait.ge [sflag:s31], $0x1000  }
0xe7: {  	[sflag:s31] =	ssyncset.done $0x0  }
0xe8: {  	[sflag:s31] =	ssyncadd.s32 $0xFFFFF000  }
0xe9: {  	_ =	swait.ge [sflag:s31], $0x1000  }
0xea: {  	[sflag:s31] =	ssyncset.done $0x0  }
0xeb: {  	[sflag:s31] =	ssyncadd.s32 $0xFFFFF000  }
0xec: {  	_ =	swait.ge [sflag:s31], $0x1000  }
0xed: {  	[sflag:s31] =	ssyncset.done $0x0  }
0xee: {  	[sflag:s31] =	ssyncadd.s32 $0xFFFFF000  }
0xef: {  	_ =	swait.ge [sflag:s31], $0x1000  }
0xf0: {  	[sflag:s31] =	ssyncset.done $0x0  }
0xf1: {  	[sflag:s31] =	ssyncadd.s32 $0xFFFFF000  }
0xf2: {  	_ =	swait.ge [sflag:s31], $0x1000  }
0xf3: {  	[sflag:s31] =	ssyncset.done $0x0  }
0xf4: {  	p0 =	sne.s32 s0, $0x16000;
	[sflag:s31] =	ssyncadd.s32 $0xFFFFF000  }
.Ltmp0:
0xf5: {  	_ =	swait.ge [sflag:s31], $0x1000;
	(pc) =	sbr.rel @p0 .LBB2_2-.Ltmp0, $4  }
0xf6: {  	[sflag:s31] =	ssyncset.done $0x0  }
0xf7: {  	[sflag:s31] =	ssyncadd.s32 $0xFFFFF000  }
0xf8: {  	_ =	swait.ge [sflag:s31], $0x1000  }
0xf9: {  	s0 =	sadd.s32 $0x2000, s0;
	s6 =	rddreg [dreg:$0x4]  }
0xfa: {  	[sflag:s31] =	ssyncset.done $0x0  }
0xfb: {  	s0 =	sadd.s32 s5, s6;
	[sflag:s31] =	ssyncadd.s32 $0xFFFFF000  }
0xfc: {  	[hbm4b:s0+s2] =	stream.linear.scatter [tilespmem:s28], [sflag:$0x3], $0x8000, $0x38;
	[tilespmem:$0x10800] =	vst v63  }
0xfd: {  	_ =	swait.ge [sflag:s30], $0x8000  }
0xfe: {  	[sflag:s30] =	ssyncset.done $0x0  }
0xff: {  	[sflag:s30] =	ssyncadd.s32 $0xFFFF8000  }
0x100: {  	_ =	swait.ge [sflag:s29], $0x1000  }
0x101: {  	[sflag:s29] =	ssyncset.done $0x0  }
0x102: {  	[sflag:s29] =	ssyncadd.s32 $0xFFFFF000  }
0x103: {  	_ =	swait.ge [sflag:s29], $0x1000  }
0x104: {  	[sflag:s29] =	ssyncset.done $0x0  }
0x105: {  	[sflag:s29] =	ssyncadd.s32 $0xFFFFF000  }
0x106: {  	_ =	swait.ge [sflag:s29], $0x1000  }
0x107: {  	[sflag:s29] =	ssyncset.done $0x0  }
0x108: {  	[sflag:s29] =	ssyncadd.s32 $0xFFFFF000  }
0x109: {  	_ =	swait.ge [sflag:s29], $0x1000  }
0x10a: {  	[sflag:s29] =	ssyncset.done $0x0  }
0x10b: {  	[sflag:s29] =	ssyncadd.s32 $0xFFFFF000  }
0x10c: {  	_ =	swait.ge [sflag:s29], $0x1000  }
0x10d: {  	[sflag:s29] =	ssyncset.done $0x0  }
0x10e: {  	[sflag:s29] =	ssyncadd.s32 $0xFFFFF000  }
0x10f: {  	_ =	swait.ge [sflag:s29], $0x1000  }
0x110: {  	[sflag:s29] =	ssyncset.done $0x0  }
0x111: {  	[sflag:s29] =	ssyncadd.s32 $0xFFFFF000  }
0x112: {  	_ =	swait.ge [sflag:s29], $0x1000  }
0x113: {  	[sflag:s29] =	ssyncset.done $0x0  }
0x114: {  	[sflag:s29] =	ssyncadd.s32 $0xFFFFF000  }
0x115: {  	_ =	swait.ge [sflag:s29], $0x1000  }
0x116: {  	[sflag:s29] =	ssyncset.done $0x0  }
0x117: {  	s9 =	rddreg [dreg:$0x14];
	[sflag:s29] =	ssyncadd.s32 $0xFFFFF000  }
0x118: {  	[hbm4b:s9+s2] =	stream.linear.scatter [tilespmem:s12], [sflag:$0x3], $0x8000, $0x38;
	[tilespmem:$0x10800] =	vst v63  }
0x119: {  	_ =	swait.ge [sflag:s30], $0x8000  }
0x11a: {  	s1 =	rddreg [dreg:$0x18]  }
0x11b: {  	s18 =	rddreg [dreg:$0x15];
	s1 =	sadd.s32 $0x1, s1  }
0x11c: {  	p0 =	sne.s32 s1, s18  }
.Ltmp1:
0x11d: {  	_ = 	snop;
	(pc) =	sbr.rel @p0 .LBB2_1-.Ltmp1, $3  }
0x11e: {  	_ =	sdelay $0x1  }
0x11f: {  	[sflag:s30] =	ssyncset.done $0x0  }
0x120: {  	[sflag:s30] =	ssyncadd.s32 $0xFFFF8000  }
0x121: {  	_ =	sfence.sel $0x180000  }
0x122: {  	[bflag:$0x0] =	sbarrier.arrive $0xFFFF  }
0x123: {  	_ =	strace $0x90000047  }
0x124: {  	s0 =	stileid.u32;
	[bflag:$0x2] =	sbarrier.arrive $0xFFFF  }
0x125: {  	p0 =	sne.s32 s0, $0x0;
	s0 =	rddreg [dreg:$0x2]  }
0x126: {  	s0 =	sadd.s32 @!p0 $0x100000, s0  }
0x127: {  	[sflag:s0] =	ssyncadd.tile.s32 @!p0 $0x1;
	_ =	shalt  }
.Lfunc_end2:
_tile_overlayer_lowered:
.L_overlay_start_2:
0x128: {  	(tag) =	ssettag $0x2  }
0x129: {  	s0 =	rddreg [dreg:$0x0];
	s2 =	stileid.u32  }
0x12a: {  	s1 =	rddreg [dreg:$0x1];
	p0 =	sne.s32 s2, $0x0  }
0x12b: {  	s3 =	rddreg [dreg:$0x2];
	[bflag:$0x3] =	sbarrier.arrive $0xFFFF;
	s2 =	simm.s32 @!p0 $0x1C04  }
0x12c: {  	[timem:s3], [sflag:s2] =	dma.local @!p0 [hbm:s0], s1  }
0x12d: {  	s0 =	simm.s32 @!p0 $0x4  }
0x12e: {  	_ =	swait.ge @!p0 [sflag:s0], s1  }
0x12f: {  	s1 =	ssub.s32 @!p0 $0x0, s1;
	[sflag:s0] =	ssyncset.done @!p0 $0x0  }
0x130: {  	[sflag:s0] =	ssyncadd.s32 @!p0 s1  }
0x131: {  	[bflag:$0x3] =	sbarrier.arrive $0xFFFF  }
0x132: {  	_ =	shalt  }

// kernel: sparse-core-data-format-call.cloned.1.call-start
scs
called_computation_lowered:
.L_overlay_start_0:
0x0: {  	s2 =	sld [smem:$0x3FD9]  }
0x1: {  	s3 =	sld [smem:$0x3FFE];
	_ =	sdelay $0x1  }
0x2: {  	s1 =	srdreg.scid  }
0x3: {  	s0 =	sand.u32 $0x1, s1  }
0x4: {  	s18 =	sshll.u32 s0, $0xA;
	s2 =	sadd.s32 s3, s2  }
0x5: {  	s2 =	sadd.s32 s2, s18  }
0x6: {  	[smem:$0x3FC6] =	sst s2  }
0x7: {  	_ = 	snop  }
0x8: {  	s2 =	sld [smem:$0x3FD0];
	(tm) =	ssettm $0x1  }
0x9: {  	s19 =	sld [smem:$0x3FFB];
	_ =	sdelay $0x3  }
0xa: {  	_ =	strace s19  }
0xb: {  	s3 =	sld [smem:$0x3FFC];
	_ =	sdelay $0x3  }
0xc: {  	_ =	strace s3  }
0xd: {  	s3 =	sld [smem:$0x3FFD];
	_ =	sdelay $0x3  }
0xe: {  	_ =	strace s3  }
0xf: {  	_ =	strace $0x8FFFFFFF  }
0x10: {  	s20 =	sld [smem:$0x3FDB];
	_ =	sdelay $0x1  }
0x11: {  	s4 =	simm.s32 $_scs_section_size  }
0x12: {  	s5 =	simm.s32 $_size__tile_overlayer_lowered;
	s6 =	simm.s32 $_tile_overlayer_lowered  }
0x13: {  	s23 =	simm.s32 $0x1BFF;
	s22 =	sshll.u32 s6, $0x1;
	s3 =	sadd.s32 s4, s20  }
0x14: {  	s7 =	simm.s32 $0x0;
	s21 =	sshll.u32 s5, $0x1;
	s5 =	sadd.s32 s22, s3  }
0x15: {  	[timem:s7], [sflag:s23] =	dma.local [hbm:s5], s21  }
0x16: {  	_ =	swait.ge [sflag:s23], s21  }
0x17: {  	s4 =	ssub.s32 $0x0, s21;
	[sflag:s23] =	ssyncset.done $0x0  }
0x18: {  	[sflag:s23] =	ssyncadd.s32 s4;
	_ =	sdelay $0x1  }
0x19: {  	s24 =	simm.s32 $0x1B8B  }
0x1a: {  	_ =	swait.ge [sflag:s24], $0x1  }
0x1b: {  	[sflag:s24] =	ssyncset.done $0x0  }
0x1c: {  	s26 =	simm.s32 $0x1B8E;
	s25 =	sld [smem:$0x3FFE];
	[sflag:s24] =	ssyncadd.s32 $0xFFFFFFFF  }
0x1d: {  	s27 =	simm.s32 $execute0_lowered;
	[smem:$0x3FD2] =	sst s26  }
0x1e: {  	s5 =	sshll.u32 s27, $0x1;
	_ =	strace $0x80000049;
	[dreg:$0x1] =	wrdreg $0xFFFFFFFF  }
0x1f: {  	s28 =	simm.s32 $_size_execute0_lowered;
	s3 =	sadd.s32 s3, s5;
	[dreg:$0x0] =	wrdreg $0x0  }
0x20: {  	s5 =	sshll.u32 s28, $0x1;
	[dreg:$0x2] =	wrdreg s3  }
0x21: {  	[dreg:$0x3] =	wrdreg s5  }
0x22: {  	[dreg:$0x4] =	wrdreg $0xC0  }
0x23: {  	_ =	task [dreg:s7], $0x5FFFF  }
0x24: {  	[dreg:$0x1] =	wrdreg $0xFFFFFFFF  }
0x25: {  	[dreg:$0x0] =	wrdreg $0x60  }
0x26: {  	[dreg:$0x2] =	wrdreg s25  }
0x27: {  	[dreg:$0x3] =	wrdreg s2  }
0x28: {  	[dreg:$0x4] =	wrdreg $0x9  }
0x29: {  	_ =	task.clear_ibuf [dreg:s7], $0x5FFFF;
	_ =	strace $0x90000049  }
0x2a: {  	s29 =	simm.s32 $0x9;
	_ =	strace $0x8000004B  }
0x2b: {  	_ =	swait.ge [sflag:s29], $0x1  }
0x2c: {  	[sflag:s29] =	ssyncadd.s32 $0xFFFFFFFF  }
0x2d: {  	_ =	strace $0x9000004B  }
0x2e: {  	_ =	sfence  }
0x2f: {  	s30 =	sld [smem:$0x0];
	_ =	sdelay $0x2  }
0x30: {  	s31 =	sshll.u32 s1, $0xD;
	s1 =	sshrl.u32 s1, $0x2  }
0x31: {  	s3 =	sand.u32 $0x4000, s31;
	s1 =	sadd.s32 s1, s30  }
0x32: {  	s0 =	sor.u32 s3, s0;
	s1 =	sshll.u32 s1, $0x11  }
0x33: {  	s0 =	sor.u32 s1, s0  }
0x34: {  	s0 =	sadd.s32 $0x8F2B, s0  }
0x35: {  	[sflag:s0] =	ssyncadd.remote.s32 $0x1  }
0x36: {  	_ =	sfence.sel $0xFFFF  }
0x37: {  	[dreg:$0x0] =	wrdreg $0xFFFFFFFF;
	(pc) =	sbr.abs _section_cstart, $3  }
0x38: {  	[dreg:$0x1] =	wrdreg $0xFFFFFFFF  }
0x39: {  	_ =	task.clear_ibuf [dreg:s7], $0x2FFFF;
	_ =	strace $0x9FFFFFFF  }
0x3a: {  	(tm) =	ssettm $0x7FFFFFFF  }
0x3b: {  	_ =	shalt  }
tec
execute0_lowered:
.L_overlay_start_1:
0x0: {  	(tag) =	ssettag $0x1  }
0x1: {  	s0 =	srdreg.scid  }
0x2: {  	s1 =	sshll.u32 s0, $0x4  }
0x3: {  	s0 =	stileid.u32;
	s1 =	sand.u32 $0x10, s1  }
0x4: {  	s1 =	sor.u32 s0, s1  }
0x5: {  	s6 =	rddreg [dreg:$0x0];
	s4 =	simm.s32 $0x1;
	s2 =	sshll.u32 s1, $0x7  }
0x6: {  	s7 =	simm.s32 $0x2;
	s12 =	simm.s32 $0x0;
	s1 =	ssub.s32 $0x1000, s2  }
0x7: {  	s8 =	simm.s32 $0x8000;
	s13 =	simm.s32 $0x0;
	s3 =	sand.u32 $0xF80, s1  }
0x8: {  	s9 =	simm.s32 $0x0;
	s5 =	sshrl.u32 s1, $0xC;
	p0 =	sne.s32 s3, $0x0  }
.Ltmp0:
0x9: {  	s1 =	rddreg [dreg:$0x2];
	s4 =	simm.s32 @!p0 $0x0;
	(pc) =	sbr.rel .LBB1_1-.Ltmp0, $4  }
0xa: {  	s11 =	simm.s32 $0x0;
	s3 =	rddreg [dreg:$0x1];
	s5 =	sadd.s32 s4, s5  }
0xb: {  	_ =	strace $0x8000004A;
	s4 =	simm.s32 $0x1;
	s5 =	smul.u32 $0xC8, s5  }
0xc: {  	s6 =	sadd.s32 $0xA00, s6;
	s10 =	smov.u32 s2;
	[sflag:s4] =	ssyncpa.u1 $0x0  }
0xd: {  	p0 =	por $0x0, $0x0;
	[sflag:s7] =	ssyncpa.u1 $0x0;
	s7 =	sor.u32 $0x1, s5  }
.LBB1_4:
0xe: {  	s16 =	sshll.u32 s13, $0x3;
	s17 =	sand.u32 $0x78, s13  }
0xf: {  	s30 =	sand.u32 $0x3E00, s13;
	s12 =	sshll.u32 s12, $0xE;
	s16 =	sand.u32 $0xC00, s16  }
0x10: {  	s31 =	sand.u32 $0x7, s13;
	s16 =	sor.u32 s17, s16;
	s17 =	sadd.s32 s3, s30  }
0x11: {  	s13 =	sshll.u32 s31, $0x12;
	s16 =	sshrl.u32 s16, $0x3;
	s12 =	sadd.s32 s12, s17  }
0x12: {  	[tilespmem:s15+$0x0 ss:$0x81] =	vst.msk $0xffff, v0;
	s13 =	sor.u32 $0x400, s13;
	s12 =	sadd.s32 s16, s12  }
0x13: {  	[hbm4b:s12+s13] =	stream.strided.scatter [tilespmem:s14], [sflag:$0x2], $0x1000, s8, s13, $0x20;
	[tilespmem:$0x4040] =	vst v63  }
.LBB1_5:
0x14: {  	s14 =	sadd.s32 $0x1, s9  }
0x15: {  	s12 =	sadd.s32 $0x1000, s10;
	s16 =	smov.u32 s10;
	p2 =	sgt.s32 s14, $0xC7  }
0x16: {  	s16 =	smov.u32 @p2 s12  }
0x17: {  	s14 =	simm.s32 @p2 $0x0;
	p2 =	sgt.s32 s16, $0xFFF  }
0x18: {  	s16 =	smov.u32 @p2 s2;
	p2 =	sne.s32 s11, s7  }
.Ltmp1:
0x19: {  	p1 =	slt.u32 s11, $0x2;
	(pc) =	sbr.rel @!p2 .LBB1_6-.Ltmp1, $4  }
0x1a: {  	s15 =	simm.s32 @!p1 $0x2  }
0x1b: {  	s13 =	smov.u32 s10;
	p0 =	por !p0, !p0;
	_ =	swait.ge @!p1 [sflag:s15], $0x1000  }
0x1c: {  	s12 =	smov.u32 s9;
	[sflag:s15] =	ssyncset.done @!p1 $0x0;
	s9 =	smov.u32 s14  }
0x1d: {  	s11 =	sadd.s32 $0x1, s11;
	[sflag:s15] =	ssyncadd.s32 @!p1 $0xFFFFF000;
	s10 =	smov.u32 s16  }
.LBB1_1:
0x1e: {  	p1 =	sge.u32 s11, s5  }
0x1f: {  	s14 =	sand.u32 @!p1 $0x1FFFFFF, s9  }
0x20: {  	s15 =	smulhi.u32 @!p1 $0x147AE15, s14;
	_ =	sdelay $0x1  }
0x21: {  	s15 =	smul.u32 @!p1 $0xC8, s15  }
0x22: {  	s16 =	sxor.u32 @!p1 $0xFFFFFFFF, s11;
	s17 =	smul.u32 @!p1 $0xC80, s10  }
0x23: {  	s31 =	sadd.s32 $0xFFFFFFFF, s11;
	s16 =	sshll.u32 @!p1 s16, $0xC;
	s14 =	ssub.s32 @!p1 s14, s15  }
0x24: {  	s15 =	sand.u32 @!p1 $0x1000, s16;
	s16 =	sadd.s32 @!p1 s6, s17;
	s14 =	sshll.u32 @!p1 s14, $0x4  }
0x25: {  	s17 =	simm.s32 @!p1 $0x6400;
	s14 =	sadd.s32 @!p1 s14, s16;
	s16 =	simm.s32 @!p1 $0x20  }
0x26: {  	[tilespmem:s15], [sflag:$0x1] =	stream.strided.gather @!p1 [hbm4b:s14+s16], $0x1000, s17, s16, $0x38;
	[tilespmem:$0x4040] =	vst v63  }
0x27: {  	p1 =	sge.u32 s31, s5  }
.Ltmp2:
0x28: {  	_ = 	snop;
	(pc) =	sbr.rel @p1 .LBB1_5-.Ltmp2, $1  }
0x29: {  	_ =	sdelay $0x3  }
0x2a: {  	s14 =	simm.s32 $0x1  }
0x2b: {  	_ =	swait.ge [sflag:s4], $0x1000;
	s14 =	simm.s32 @!p0 $0x0  }
0x2c: {  	[sflag:s4] =	ssyncset.done $0x0;
	s15 =	sshll.u32 s14, $0xC  }
0x2d: {  	[sflag:s4] =	ssyncadd.s32 $0xFFFFF000;
	s18 =	sor.u32 $0x10, s15  }
0x2e: {  	s14 =	smul.u32 $0x4080, s14;
	v1 =	vld [tilespmem:s18+$0x0]  }
0x2f: {  	s30 =	sand.u32 $0x1, s11;
	v0 =	vld [tilespmem:s18+$0xFFFFFFF0]  }
0x30: {  	s15 =	smul.u32 $0x4080, s30;
	s14 =	sshrl.u32 s14, $0x2  }
0x31: {  	s16 =	sor.u32 $0x2000, s14  }
0x32: {  	s31 =	sshrl.u32 s15, $0x2;
	s15 =	sadd.s32 $0x0, s16  }
0x33: {  	s17 =	simm.s32 $0x4;
	s18 =	sadd.s32 $0x20, s18;
	s14 =	sor.u32 $0x2000, s31;
	[tilespmem:s15+$0x810 ss:$0x81] =	vst.msk $0xffff, v1  }
.LBB1_3:
0x34: {  	v1 =	vld [tilespmem:s18+$0x0];
	p1 =	sne.s32 s17, $0x1FC;
	[tilespmem:s15+$0x0 ss:$0x81] =	vst.msk $0xffff, v0;
	s15 =	smov.u32 s17;
	s17 =	sadd.s32 $0x4, s17  }
.Ltmp3:
0x35: {  	v0 =	vld [tilespmem:s18+$0xFFFFFFF0];
	(pc) =	sbr.rel @p1 .LBB1_3-.Ltmp3, $4  }
0x36: {  	_ = 	snop  }
0x37: {  	s15 =	sshra.s32 s15, $0x2  }
0x38: {  	s15 =	sadd.s32 s15, s16  }
0x39: {  	s18 =	sadd.s32 $0x20, s18;
	[tilespmem:s15+$0x810 ss:$0x81] =	vst.msk $0xffff, v1  }
.Ltmp4:
0x3a: {  	_ = 	snop;
	(pc) =	sbr.rel .LBB1_4-.Ltmp4, $1  }
0x3b: {  	_ =	sdelay $0x3  }
.LBB1_6:
0x3c: {  	_ =	sfence.sel $0x180000  }
0x3d: {  	s2 =	simm.s32 $0x1;
	[bflag:$0x0] =	sbarrier.arrive $0xFFFF  }
0x3e: {  	s31 =	simm.s32 $0x2;
	[sflag:s2] =	ssyncpa.u1 $0x1  }
0x3f: {  	[sflag:s31] =	ssyncpa.u1 $0x1  }
0x40: {  	p0 =	sne.s32 s0, $0x0;
	_ =	strace $0x9000004A  }
0x41: {  	s0 =	sadd.s32 @!p0 $0x100000, s1;
	[bflag:$0x2] =	sbarrier.arrive $0xFFFF  }
0x42: {  	[sflag:s0] =	ssyncadd.tile.s32 @!p0 $0x1;
	_ =	shalt  }
.Lfunc_end1:
_tile_overlayer_lowered:
.L_overlay_start_2:
0x43: {  	(tag) =	ssettag $0x2  }
0x44: {  	s0 =	rddreg [dreg:$0x0];
	s2 =	stileid.u32  }
0x45: {  	s1 =	rddreg [dreg:$0x1];
	p0 =	sne.s32 s2, $0x0  }
0x46: {  	s3 =	rddreg [dreg:$0x2];
	[bflag:$0x3] =	sbarrier.arrive $0xFFFF;
	s2 =	simm.s32 @!p0 $0x1C01  }
0x47: {  	[timem:s3], [sflag:s2] =	dma.local @!p0 [hbm:s0], s1  }
0x48: {  	s0 =	simm.s32 @!p0 $0x1  }
0x49: {  	_ =	swait.ge @!p0 [sflag:s0], s1  }
0x4a: {  	s1 =	ssub.s32 @!p0 $0x0, s1;
	[sflag:s0] =	ssyncset.done @!p0 $0x0  }
0x4b: {  	[sflag:s0] =	ssyncadd.s32 @!p0 s1  }
0x4c: {  	[bflag:$0x3] =	sbarrier.arrive $0xFFFF  }
0x4d: {  	_ =	shalt  }

</sc_bundles>
